<compile_context>
chip_gen: v7x
topology: tpu7x:2x2x1
jax: 0.10.2.dev20260603
libtpu: 0.0.44.dev20260713+nightly
codegen_flags: <defaults>
</compile_context>

<pallas_src>
import functools

import jax
import jax.numpy as jnp
from jax import lax
from jax.experimental import pallas as pl
from jax.experimental.pallas import tpu as pltpu
from jax.experimental.pallas import tpu_sc as plsc


def _grab_units_sc(x2, chans, rows, cols, *, B, H, W):
    U = chans.shape[0]
    info = plsc.get_sparse_core_info()
    nw = info.num_cores * info.num_subcores
    bpt = B // nw
    mesh = plsc.VectorSubcoreMesh(core_axis_name="c", subcore_axis_name="s")

    @functools.partial(
        pl.kernel,
        mesh=mesh,
        out_type=jax.ShapeDtypeStruct((B * U,), jnp.float32),
        scratch_types=[
            pltpu.VMEM((U,), jnp.int32),
            pltpu.VMEM((U,), jnp.int32),
            pltpu.VMEM((U,), jnp.int32),
            pltpu.VMEM((bpt, U), jnp.int32),
            pltpu.VMEM((bpt, U, 128), jnp.float32),
            pltpu.VMEM((U,), jnp.float32),
            pltpu.SemaphoreType.DMA((bpt,)),
        ],
        compiler_params=pltpu.CompilerParams(
            use_tc_tiling_on_sc=True, needs_layout_passes=False
        ),
    )
    def k(x_hbm, ch_hbm, r_hbm, w_hbm, out_hbm, ch_v, r_v, c_v, idx_v,
          rowbuf, orow_v, sem):
        wid = lax.axis_index("s") * info.num_cores + lax.axis_index("c")
        pltpu.sync_copy(ch_hbm, ch_v)
        pltpu.sync_copy(r_hbm, r_v)
        pltpu.sync_copy(w_hbm, c_v)
        for lb in range(bpt):
            b = wid * bpt + lb
            for i in range(U // 16):
                s = pl.ds(16 * i, 16)
                idx_v[lb, s] = (b * H + r_v[s]) * W + c_v[s]
        cps = [
            pltpu.async_copy(x_hbm.at[idx_v.at[lb]], rowbuf.at[lb], sem.at[lb])
            for lb in range(bpt)
        ]
        for lb in range(bpt):
            b = wid * bpt + lb
            cps[lb].wait()
            for i in range(U // 16):
                s = pl.ds(16 * i, 16)
                rid = lax.iota(jnp.int32, 16) + 16 * i
                vals = plsc.load_gather(rowbuf.at[lb], [rid, ch_v[s]])
                orow_v[s] = vals
            pltpu.sync_copy(orow_v, out_hbm.at[pl.ds(b * U, U)])

    out1d = k(x2, chans, rows, cols)
    return out1d.reshape(B, U)


def kernel(x, chans, coords):
    B, C, H, W = x.shape
    x2 = x.transpose(0, 2, 3, 1).reshape(B * H * W, C)
    ch = chans.astype(jnp.int32)
    r = coords[:, 0].astype(jnp.int32)
    c = coords[:, 1].astype(jnp.int32)
    return _grab_units_sc(x2, ch, r, c, B=B, H=H, W=W)

# --- scband reference (transcript-rebuilt; emitter-appended) ---
"""Pipeline reference for scband-grab-units-24945170055322 (READ-ONLY COPY).

The authoritative reference and input builder live on the scoring server;
editing this copy changes nothing except your own understanding.
"""

import jax, jax.numpy as jnp
import numpy as np


def _centers2coords(centers, ksizes, img_shape):
    # Matches GrabUnits.centers2coords: stride 1, zero padding assumption.
    half_effective_ksize = (ksizes[0] - 1) + (ksizes[1] - 1) + (ksizes[2] // 2 - 1) + 1
    coords = []
    for center in centers:
        row = min(max(0, center[0] - half_effective_ksize), img_shape[1] - 2 * (half_effective_ksize - 1))
        col = min(max(0, center[1] - half_effective_ksize), img_shape[2] - 2 * (half_effective_ksize - 1))
        coords.append([row, col])
    return jnp.asarray(np.array(coords, dtype=np.int64))


def setup_inputs(seed: int = 0):
    key = jax.random.key(seed)
    B, C, H, W = 64, 128, 200, 200
    n_units = 128
    centers = [[i, 223 - i] for i in range(n_units)]
    ksizes = [15, 9, 9]
    img_shape = [3, 224, 224]
    coords = _centers2coords(centers, ksizes, img_shape)  # [n_units, 2] int64, values <= 174 < 200
    chans = jnp.arange(n_units, dtype=jnp.int64)
    x = jax.random.normal(key, (B, C, H, W), dtype=jnp.float32)
    return {"x": x, "chans": chans, "coords": coords}


def reference(x, chans, coords):
    # units = x[..., :, chans, coords[:,0], coords[:,1]] -> [B, n_units]
    units = x[..., :, chans, coords[:, 0], coords[:, 1]]
    return units

if __name__ == "__main__":
    import jax
    _d = setup_inputs()
    print(jax.jit(kernel)(*tuple(_d.values())))

</pallas_src>

<mosaic_0001>
#map = affine_map<(d0, d1) -> (0, 0)>
#map1 = affine_map<(d0, d1) -> (0)>
module attributes {stable_mosaic.version = 14 : i64} {
  func.func @k(%arg0: i32, %arg1: i32, %arg2: memref<2560000x128xf32, #tpu.memory_space<hbm>>, %arg3: memref<128xi32, #tpu.memory_space<hbm>>, %arg4: memref<128xi32, #tpu.memory_space<hbm>>, %arg5: memref<128xi32, #tpu.memory_space<hbm>>, %arg6: memref<8192xf32, #tpu.memory_space<hbm>>, %arg7: memref<128xi32, #tpu.memory_space<vmem>>, %arg8: memref<128xi32, #tpu.memory_space<vmem>>, %arg9: memref<128xi32, #tpu.memory_space<vmem>>, %arg10: memref<2x128xi32, #tpu.memory_space<vmem>>, %arg11: memref<2x128x128xf32, #tpu.memory_space<vmem>>, %arg12: memref<128xf32, #tpu.memory_space<vmem>>, %arg13: memref<2x!tpu.dma_semaphore, #tpu.memory_space<semaphore_mem>>) attributes {dimension_semantics = [#tpu.dimension_semantics<core_parallel>, #tpu.dimension_semantics<subcore_parallel>], iteration_bounds = array<i64: 2, 16>, scalar_prefetch = 0 : i64, scratch_operands = 7 : i64, tpu.core_type = #tpu.core_type<sc_vector_subcore>, window_params = [{transform_indices = #map}, {transform_indices = #map1}, {transform_indices = #map1}, {transform_indices = #map1}, {transform_indices = #map1}]} {
    %mul3A = arith.constant 2 : i32
    %mul3A_0 = arith.muli %arg1, %mul3A : i32
    %add3A = arith.addi %mul3A_0, %arg0 : i32
    "tpu.region"() ({
      %run_scoped3A = tpu.sem_alloc : memref<!tpu.dma_semaphore, #tpu.memory_space<semaphore_mem>>
      tpu.enqueue_dma source(%arg3 : memref<128xi32, #tpu.memory_space<hbm>>) target(%arg7 : memref<128xi32, #tpu.memory_space<vmem>>) target_semaphore(%run_scoped3A : memref<!tpu.dma_semaphore, #tpu.memory_space<semaphore_mem>>)
      tpu.wait_dma2 semaphore(%run_scoped3A : memref<!tpu.dma_semaphore, #tpu.memory_space<semaphore_mem>>) src(%arg3 : memref<128xi32, #tpu.memory_space<hbm>>) dst(%arg7 : memref<128xi32, #tpu.memory_space<vmem>>)
      tpu.yield
    }) : () -> ()
    "tpu.region"() ({
      %run_scoped3A = tpu.sem_alloc : memref<!tpu.dma_semaphore, #tpu.memory_space<semaphore_mem>>
      tpu.enqueue_dma source(%arg4 : memref<128xi32, #tpu.memory_space<hbm>>) target(%arg8 : memref<128xi32, #tpu.memory_space<vmem>>) target_semaphore(%run_scoped3A : memref<!tpu.dma_semaphore, #tpu.memory_space<semaphore_mem>>)
      tpu.wait_dma2 semaphore(%run_scoped3A : memref<!tpu.dma_semaphore, #tpu.memory_space<semaphore_mem>>) src(%arg4 : memref<128xi32, #tpu.memory_space<hbm>>) dst(%arg8 : memref<128xi32, #tpu.memory_space<vmem>>)
      tpu.yield
    }) : () -> ()
    "tpu.region"() ({
      %run_scoped3A = tpu.sem_alloc : memref<!tpu.dma_semaphore, #tpu.memory_space<semaphore_mem>>
      tpu.enqueue_dma source(%arg5 : memref<128xi32, #tpu.memory_space<hbm>>) target(%arg9 : memref<128xi32, #tpu.memory_space<vmem>>) target_semaphore(%run_scoped3A : memref<!tpu.dma_semaphore, #tpu.memory_space<semaphore_mem>>)
      tpu.wait_dma2 semaphore(%run_scoped3A : memref<!tpu.dma_semaphore, #tpu.memory_space<semaphore_mem>>) src(%arg5 : memref<128xi32, #tpu.memory_space<hbm>>) dst(%arg9 : memref<128xi32, #tpu.memory_space<vmem>>)
      tpu.yield
    }) : () -> ()
    %mul3A_1 = arith.constant 2 : i32
    %mul3A_2 = arith.muli %add3A, %mul3A_1 : i32
    %add3A_3 = arith.constant 0 : i32
    %add3A_4 = arith.addi %mul3A_2, %add3A_3 : i32
    %mul3A_5 = arith.constant 200 : i32
    %mul3A_6 = arith.muli %add3A_4, %mul3A_5 : i32
    %get3A = arith.constant 0 : index
    %get3A_7 = tpu.vector_load %arg8[%get3A] {strides = array<i32>} : memref<128xi32, #tpu.memory_space<vmem>>, vector<16xi32>,
    %add3A_8 = vector.broadcast %mul3A_6 : i32 to vector<16xi32>
    %add3A_9 = arith.addi %add3A_8, %get3A_7 : vector<16xi32>
    %mul3A_10 = arith.constant 200 : i32
    %mul3A_11 = vector.broadcast %mul3A_10 : i32 to vector<16xi32>
    %mul3A_12 = arith.muli %add3A_9, %mul3A_11 : vector<16xi32>
    %get3A_13 = arith.constant 0 : index
    %get3A_14 = tpu.vector_load %arg9[%get3A_13] {strides = array<i32>} : memref<128xi32, #tpu.memory_space<vmem>>, vector<16xi32>,
    %add3A_15 = arith.addi %mul3A_12, %get3A_14 : vector<16xi32>
    %swap3A = arith.constant 0 : i32
    %swap3A_16 = arith.index_cast %swap3A : i32 to index
    %swap3A_17 = arith.constant 0 : index
    %swap3A_18 = tpu.vector_load %arg10[%swap3A_16, %swap3A_17] {strides = array<i32>} : memref<2x128xi32, #tpu.memory_space<vmem>>, vector<16xi32>,
    tpu.vector_store %arg10[%swap3A_16, %swap3A_17], %add3A_15 {strides = array<i32>} : memref<2x128xi32, #tpu.memory_space<vmem>>, vector<16xi32>,
    %mul3A_19 = arith.constant 200 : i32
    %mul3A_20 = arith.muli %add3A_4, %mul3A_19 : i32
    %get3A_21 = arith.constant 16 : index
    %get3A_22 = tpu.vector_load %arg8[%get3A_21] {strides = array<i32>} : memref<128xi32, #tpu.memory_space<vmem>>, vector<16xi32>,
    %add3A_23 = vector.broadcast %mul3A_20 : i32 to vector<16xi32>
    %add3A_24 = arith.addi %add3A_23, %get3A_22 : vector<16xi32>
    %mul3A_25 = arith.constant 200 : i32
    %mul3A_26 = vector.broadcast %mul3A_25 : i32 to vector<16xi32>
    %mul3A_27 = arith.muli %add3A_24, %mul3A_26 : vector<16xi32>
    %get3A_28 = arith.constant 16 : index
    %get3A_29 = tpu.vector_load %arg9[%get3A_28] {strides = array<i32>} : memref<128xi32, #tpu.memory_space<vmem>>, vector<16xi32>,
    %add3A_30 = arith.addi %mul3A_27, %get3A_29 : vector<16xi32>
    %swap3A_31 = arith.constant 0 : i32
    %swap3A_32 = arith.index_cast %swap3A_31 : i32 to index
    %swap3A_33 = arith.constant 16 : index
    %swap3A_34 = tpu.vector_load %arg10[%swap3A_32, %swap3A_33] {strides = array<i32>} : memref<2x128xi32, #tpu.memory_space<vmem>>, vector<16xi32>,
    tpu.vector_store %arg10[%swap3A_32, %swap3A_33], %add3A_30 {strides = array<i32>} : memref<2x128xi32, #tpu.memory_space<vmem>>, vector<16xi32>,
    %mul3A_35 = arith.constant 200 : i32
    %mul3A_36 = arith.muli %add3A_4, %mul3A_35 : i32
    %get3A_37 = arith.constant 32 : index
    %get3A_38 = tpu.vector_load %arg8[%get3A_37] {strides = array<i32>} : memref<128xi32, #tpu.memory_space<vmem>>, vector<16xi32>,
    %add3A_39 = vector.broadcast %mul3A_36 : i32 to vector<16xi32>
    %add3A_40 = arith.addi %add3A_39, %get3A_38 : vector<16xi32>
    %mul3A_41 = arith.constant 200 : i32
    %mul3A_42 = vector.broadcast %mul3A_41 : i32 to vector<16xi32>
    %mul3A_43 = arith.muli %add3A_40, %mul3A_42 : vector<16xi32>
    %get3A_44 = arith.constant 32 : index
    %get3A_45 = tpu.vector_load %arg9[%get3A_44] {strides = array<i32>} : memref<128xi32, #tpu.memory_space<vmem>>, vector<16xi32>,
    %add3A_46 = arith.addi %mul3A_43, %get3A_45 : vector<16xi32>
    %swap3A_47 = arith.constant 0 : i32
    %swap3A_48 = arith.index_cast %swap3A_47 : i32 to index
    %swap3A_49 = arith.constant 32 : index
    %swap3A_50 = tpu.vector_load %arg10[%swap3A_48, %swap3A_49] {strides = array<i32>} : memref<2x128xi32, #tpu.memory_space<vmem>>, vector<16xi32>,
    tpu.vector_store %arg10[%swap3A_48, %swap3A_49], %add3A_46 {strides = array<i32>} : memref<2x128xi32, #tpu.memory_space<vmem>>, vector<16xi32>,
    %mul3A_51 = arith.constant 200 : i32
    %mul3A_52 = arith.muli %add3A_4, %mul3A_51 : i32
    %get3A_53 = arith.constant 48 : index
    %get3A_54 = tpu.vector_load %arg8[%get3A_53] {strides = array<i32>} : memref<128xi32, #tpu.memory_space<vmem>>, vector<16xi32>,
    %add3A_55 = vector.broadcast %mul3A_52 : i32 to vector<16xi32>
    %add3A_56 = arith.addi %add3A_55, %get3A_54 : vector<16xi32>
    %mul3A_57 = arith.constant 200 : i32
    %mul3A_58 = vector.broadcast %mul3A_57 : i32 to vector<16xi32>
    %mul3A_59 = arith.muli %add3A_56, %mul3A_58 : vector<16xi32>
    %get3A_60 = arith.constant 48 : index
    %get3A_61 = tpu.vector_load %arg9[%get3A_60] {strides = array<i32>} : memref<128xi32, #tpu.memory_space<vmem>>, vector<16xi32>,
    %add3A_62 = arith.addi %mul3A_59, %get3A_61 : vector<16xi32>
    %swap3A_63 = arith.constant 0 : i32
    %swap3A_64 = arith.index_cast %swap3A_63 : i32 to index
    %swap3A_65 = arith.constant 48 : index
    %swap3A_66 = tpu.vector_load %arg10[%swap3A_64, %swap3A_65] {strides = array<i32>} : memref<2x128xi32, #tpu.memory_space<vmem>>, vector<16xi32>,
    tpu.vector_store %arg10[%swap3A_64, %swap3A_65], %add3A_62 {strides = array<i32>} : memref<2x128xi32, #tpu.memory_space<vmem>>, vector<16xi32>,
    %mul3A_67 = arith.constant 200 : i32
    %mul3A_68 = arith.muli %add3A_4, %mul3A_67 : i32
    %get3A_69 = arith.constant 64 : index
    %get3A_70 = tpu.vector_load %arg8[%get3A_69] {strides = array<i32>} : memref<128xi32, #tpu.memory_space<vmem>>, vector<16xi32>,
    %add3A_71 = vector.broadcast %mul3A_68 : i32 to vector<16xi32>
    %add3A_72 = arith.addi %add3A_71, %get3A_70 : vector<16xi32>
    %mul3A_73 = arith.constant 200 : i32
    %mul3A_74 = vector.broadcast %mul3A_73 : i32 to vector<16xi32>
    %mul3A_75 = arith.muli %add3A_72, %mul3A_74 : vector<16xi32>
    %get3A_76 = arith.constant 64 : index
    %get3A_77 = tpu.vector_load %arg9[%get3A_76] {strides = array<i32>} : memref<128xi32, #tpu.memory_space<vmem>>, vector<16xi32>,
    %add3A_78 = arith.addi %mul3A_75, %get3A_77 : vector<16xi32>
    %swap3A_79 = arith.constant 0 : i32
    %swap3A_80 = arith.index_cast %swap3A_79 : i32 to index
    %swap3A_81 = arith.constant 64 : index
    %swap3A_82 = tpu.vector_load %arg10[%swap3A_80, %swap3A_81] {strides = array<i32>} : memref<2x128xi32, #tpu.memory_space<vmem>>, vector<16xi32>,
    tpu.vector_store %arg10[%swap3A_80, %swap3A_81], %add3A_78 {strides = array<i32>} : memref<2x128xi32, #tpu.memory_space<vmem>>, vector<16xi32>,
    %mul3A_83 = arith.constant 200 : i32
    %mul3A_84 = arith.muli %add3A_4, %mul3A_83 : i32
    %get3A_85 = arith.constant 80 : index
    %get3A_86 = tpu.vector_load %arg8[%get3A_85] {strides = array<i32>} : memref<128xi32, #tpu.memory_space<vmem>>, vector<16xi32>,
    %add3A_87 = vector.broadcast %mul3A_84 : i32 to vector<16xi32>
    %add3A_88 = arith.addi %add3A_87, %get3A_86 : vector<16xi32>
    %mul3A_89 = arith.constant 200 : i32
    %mul3A_90 = vector.broadcast %mul3A_89 : i32 to vector<16xi32>
    %mul3A_91 = arith.muli %add3A_88, %mul3A_90 : vector<16xi32>
    %get3A_92 = arith.constant 80 : index
    %get3A_93 = tpu.vector_load %arg9[%get3A_92] {strides = array<i32>} : memref<128xi32, #tpu.memory_space<vmem>>, vector<16xi32>,
    %add3A_94 = arith.addi %mul3A_91, %get3A_93 : vector<16xi32>
    %swap3A_95 = arith.constant 0 : i32
    %swap3A_96 = arith.index_cast %swap3A_95 : i32 to index
    %swap3A_97 = arith.constant 80 : index
    %swap3A_98 = tpu.vector_load %arg10[%swap3A_96, %swap3A_97] {strides = array<i32>} : memref<2x128xi32, #tpu.memory_space<vmem>>, vector<16xi32>,
    tpu.vector_store %arg10[%swap3A_96, %swap3A_97], %add3A_94 {strides = array<i32>} : memref<2x128xi32, #tpu.memory_space<vmem>>, vector<16xi32>,
    %mul3A_99 = arith.constant 200 : i32
    %mul3A_100 = arith.muli %add3A_4, %mul3A_99 : i32
    %get3A_101 = arith.constant 96 : index
    %get3A_102 = tpu.vector_load %arg8[%get3A_101] {strides = array<i32>} : memref<128xi32, #tpu.memory_space<vmem>>, vector<16xi32>,
    %add3A_103 = vector.broadcast %mul3A_100 : i32 to vector<16xi32>
    %add3A_104 = arith.addi %add3A_103, %get3A_102 : vector<16xi32>
    %mul3A_105 = arith.constant 200 : i32
    %mul3A_106 = vector.broadcast %mul3A_105 : i32 to vector<16xi32>
    %mul3A_107 = arith.muli %add3A_104, %mul3A_106 : vector<16xi32>
    %get3A_108 = arith.constant 96 : index
    %get3A_109 = tpu.vector_load %arg9[%get3A_108] {strides = array<i32>} : memref<128xi32, #tpu.memory_space<vmem>>, vector<16xi32>,
    %add3A_110 = arith.addi %mul3A_107, %get3A_109 : vector<16xi32>
    %swap3A_111 = arith.constant 0 : i32
    %swap3A_112 = arith.index_cast %swap3A_111 : i32 to index
    %swap3A_113 = arith.constant 96 : index
    %swap3A_114 = tpu.vector_load %arg10[%swap3A_112, %swap3A_113] {strides = array<i32>} : memref<2x128xi32, #tpu.memory_space<vmem>>, vector<16xi32>,
    tpu.vector_store %arg10[%swap3A_112, %swap3A_113], %add3A_110 {strides = array<i32>} : memref<2x128xi32, #tpu.memory_space<vmem>>, vector<16xi32>,
    %mul3A_115 = arith.constant 200 : i32
    %mul3A_116 = arith.muli %add3A_4, %mul3A_115 : i32
    %get3A_117 = arith.constant 112 : index
    %get3A_118 = tpu.vector_load %arg8[%get3A_117] {strides = array<i32>} : memref<128xi32, #tpu.memory_space<vmem>>, vector<16xi32>,
    %add3A_119 = vector.broadcast %mul3A_116 : i32 to vector<16xi32>
    %add3A_120 = arith.addi %add3A_119, %get3A_118 : vector<16xi32>
    %mul3A_121 = arith.constant 200 : i32
    %mul3A_122 = vector.broadcast %mul3A_121 : i32 to vector<16xi32>
    %mul3A_123 = arith.muli %add3A_120, %mul3A_122 : vector<16xi32>
    %get3A_124 = arith.constant 112 : index
    %get3A_125 = tpu.vector_load %arg9[%get3A_124] {strides = array<i32>} : memref<128xi32, #tpu.memory_space<vmem>>, vector<16xi32>,
    %add3A_126 = arith.addi %mul3A_123, %get3A_125 : vector<16xi32>
    %swap3A_127 = arith.constant 0 : i32
    %swap3A_128 = arith.index_cast %swap3A_127 : i32 to index
    %swap3A_129 = arith.constant 112 : index
    %swap3A_130 = tpu.vector_load %arg10[%swap3A_128, %swap3A_129] {strides = array<i32>} : memref<2x128xi32, #tpu.memory_space<vmem>>, vector<16xi32>,
    tpu.vector_store %arg10[%swap3A_128, %swap3A_129], %add3A_126 {strides = array<i32>} : memref<2x128xi32, #tpu.memory_space<vmem>>, vector<16xi32>,
    %mul3A_131 = arith.constant 2 : i32
    %mul3A_132 = arith.muli %add3A, %mul3A_131 : i32
    %add3A_133 = arith.constant 1 : i32
    %add3A_134 = arith.addi %mul3A_132, %add3A_133 : i32
    %mul3A_135 = arith.constant 200 : i32
    %mul3A_136 = arith.muli %add3A_134, %mul3A_135 : i32
    %get3A_137 = arith.constant 0 : index
    %get3A_138 = tpu.vector_load %arg8[%get3A_137] {strides = array<i32>} : memref<128xi32, #tpu.memory_space<vmem>>, vector<16xi32>,
    %add3A_139 = vector.broadcast %mul3A_136 : i32 to vector<16xi32>
    %add3A_140 = arith.addi %add3A_139, %get3A_138 : vector<16xi32>
    %mul3A_141 = arith.constant 200 : i32
    %mul3A_142 = vector.broadcast %mul3A_141 : i32 to vector<16xi32>
    %mul3A_143 = arith.muli %add3A_140, %mul3A_142 : vector<16xi32>
    %get3A_144 = arith.constant 0 : index
    %get3A_145 = tpu.vector_load %arg9[%get3A_144] {strides = array<i32>} : memref<128xi32, #tpu.memory_space<vmem>>, vector<16xi32>,
    %add3A_146 = arith.addi %mul3A_143, %get3A_145 : vector<16xi32>
    %swap3A_147 = arith.constant 1 : i32
    %swap3A_148 = arith.index_cast %swap3A_147 : i32 to index
    %swap3A_149 = arith.constant 0 : index
    %swap3A_150 = tpu.vector_load %arg10[%swap3A_148, %swap3A_149] {strides = array<i32>} : memref<2x128xi32, #tpu.memory_space<vmem>>, vector<16xi32>,
    tpu.vector_store %arg10[%swap3A_148, %swap3A_149], %add3A_146 {strides = array<i32>} : memref<2x128xi32, #tpu.memory_space<vmem>>, vector<16xi32>,
    %mul3A_151 = arith.constant 200 : i32
    %mul3A_152 = arith.muli %add3A_134, %mul3A_151 : i32
    %get3A_153 = arith.constant 16 : index
    %get3A_154 = tpu.vector_load %arg8[%get3A_153] {strides = array<i32>} : memref<128xi32, #tpu.memory_space<vmem>>, vector<16xi32>,
    %add3A_155 = vector.broadcast %mul3A_152 : i32 to vector<16xi32>
    %add3A_156 = arith.addi %add3A_155, %get3A_154 : vector<16xi32>
    %mul3A_157 = arith.constant 200 : i32
    %mul3A_158 = vector.broadcast %mul3A_157 : i32 to vector<16xi32>
    %mul3A_159 = arith.muli %add3A_156, %mul3A_158 : vector<16xi32>
    %get3A_160 = arith.constant 16 : index
    %get3A_161 = tpu.vector_load %arg9[%get3A_160] {strides = array<i32>} : memref<128xi32, #tpu.memory_space<vmem>>, vector<16xi32>,
    %add3A_162 = arith.addi %mul3A_159, %get3A_161 : vector<16xi32>
    %swap3A_163 = arith.constant 1 : i32
    %swap3A_164 = arith.index_cast %swap3A_163 : i32 to index
    %swap3A_165 = arith.constant 16 : index
    %swap3A_166 = tpu.vector_load %arg10[%swap3A_164, %swap3A_165] {strides = array<i32>} : memref<2x128xi32, #tpu.memory_space<vmem>>, vector<16xi32>,
    tpu.vector_store %arg10[%swap3A_164, %swap3A_165], %add3A_162 {strides = array<i32>} : memref<2x128xi32, #tpu.memory_space<vmem>>, vector<16xi32>,
    %mul3A_167 = arith.constant 200 : i32
    %mul3A_168 = arith.muli %add3A_134, %mul3A_167 : i32
    %get3A_169 = arith.constant 32 : index
    %get3A_170 = tpu.vector_load %arg8[%get3A_169] {strides = array<i32>} : memref<128xi32, #tpu.memory_space<vmem>>, vector<16xi32>,
    %add3A_171 = vector.broadcast %mul3A_168 : i32 to vector<16xi32>
    %add3A_172 = arith.addi %add3A_171, %get3A_170 : vector<16xi32>
    %mul3A_173 = arith.constant 200 : i32
    %mul3A_174 = vector.broadcast %mul3A_173 : i32 to vector<16xi32>
    %mul3A_175 = arith.muli %add3A_172, %mul3A_174 : vector<16xi32>
    %get3A_176 = arith.constant 32 : index
    %get3A_177 = tpu.vector_load %arg9[%get3A_176] {strides = array<i32>} : memref<128xi32, #tpu.memory_space<vmem>>, vector<16xi32>,
    %add3A_178 = arith.addi %mul3A_175, %get3A_177 : vector<16xi32>
    %swap3A_179 = arith.constant 1 : i32
    %swap3A_180 = arith.index_cast %swap3A_179 : i32 to index
    %swap3A_181 = arith.constant 32 : index
    %swap3A_182 = tpu.vector_load %arg10[%swap3A_180, %swap3A_181] {strides = array<i32>} : memref<2x128xi32, #tpu.memory_space<vmem>>, vector<16xi32>,
    tpu.vector_store %arg10[%swap3A_180, %swap3A_181], %add3A_178 {strides = array<i32>} : memref<2x128xi32, #tpu.memory_space<vmem>>, vector<16xi32>,
    %mul3A_183 = arith.constant 200 : i32
    %mul3A_184 = arith.muli %add3A_134, %mul3A_183 : i32
    %get3A_185 = arith.constant 48 : index
    %get3A_186 = tpu.vector_load %arg8[%get3A_185] {strides = array<i32>} : memref<128xi32, #tpu.memory_space<vmem>>, vector<16xi32>,
    %add3A_187 = vector.broadcast %mul3A_184 : i32 to vector<16xi32>
    %add3A_188 = arith.addi %add3A_187, %get3A_186 : vector<16xi32>
    %mul3A_189 = arith.constant 200 : i32
    %mul3A_190 = vector.broadcast %mul3A_189 : i32 to vector<16xi32>
    %mul3A_191 = arith.muli %add3A_188, %mul3A_190 : vector<16xi32>
    %get3A_192 = arith.constant 48 : index
    %get3A_193 = tpu.vector_load %arg9[%get3A_192] {strides = array<i32>} : memref<128xi32, #tpu.memory_space<vmem>>, vector<16xi32>,
    %add3A_194 = arith.addi %mul3A_191, %get3A_193 : vector<16xi32>
    %swap3A_195 = arith.constant 1 : i32
    %swap3A_196 = arith.index_cast %swap3A_195 : i32 to index
    %swap3A_197 = arith.constant 48 : index
    %swap3A_198 = tpu.vector_load %arg10[%swap3A_196, %swap3A_197] {strides = array<i32>} : memref<2x128xi32, #tpu.memory_space<vmem>>, vector<16xi32>,
    tpu.vector_store %arg10[%swap3A_196, %swap3A_197], %add3A_194 {strides = array<i32>} : memref<2x128xi32, #tpu.memory_space<vmem>>, vector<16xi32>,
    %mul3A_199 = arith.constant 200 : i32
    %mul3A_200 = arith.muli %add3A_134, %mul3A_199 : i32
    %get3A_201 = arith.constant 64 : index
    %get3A_202 = tpu.vector_load %arg8[%get3A_201] {strides = array<i32>} : memref<128xi32, #tpu.memory_space<vmem>>, vector<16xi32>,
    %add3A_203 = vector.broadcast %mul3A_200 : i32 to vector<16xi32>
    %add3A_204 = arith.addi %add3A_203, %get3A_202 : vector<16xi32>
    %mul3A_205 = arith.constant 200 : i32
    %mul3A_206 = vector.broadcast %mul3A_205 : i32 to vector<16xi32>
    %mul3A_207 = arith.muli %add3A_204, %mul3A_206 : vector<16xi32>
    %get3A_208 = arith.constant 64 : index
    %get3A_209 = tpu.vector_load %arg9[%get3A_208] {strides = array<i32>} : memref<128xi32, #tpu.memory_space<vmem>>, vector<16xi32>,
    %add3A_210 = arith.addi %mul3A_207, %get3A_209 : vector<16xi32>
    %swap3A_211 = arith.constant 1 : i32
    %swap3A_212 = arith.index_cast %swap3A_211 : i32 to index
    %swap3A_213 = arith.constant 64 : index
    %swap3A_214 = tpu.vector_load %arg10[%swap3A_212, %swap3A_213] {strides = array<i32>} : memref<2x128xi32, #tpu.memory_space<vmem>>, vector<16xi32>,
    tpu.vector_store %arg10[%swap3A_212, %swap3A_213], %add3A_210 {strides = array<i32>} : memref<2x128xi32, #tpu.memory_space<vmem>>, vector<16xi32>,
    %mul3A_215 = arith.constant 200 : i32
    %mul3A_216 = arith.muli %add3A_134, %mul3A_215 : i32
    %get3A_217 = arith.constant 80 : index
    %get3A_218 = tpu.vector_load %arg8[%get3A_217] {strides = array<i32>} : memref<128xi32, #tpu.memory_space<vmem>>, vector<16xi32>,
    %add3A_219 = vector.broadcast %mul3A_216 : i32 to vector<16xi32>
    %add3A_220 = arith.addi %add3A_219, %get3A_218 : vector<16xi32>
    %mul3A_221 = arith.constant 200 : i32
    %mul3A_222 = vector.broadcast %mul3A_221 : i32 to vector<16xi32>
    %mul3A_223 = arith.muli %add3A_220, %mul3A_222 : vector<16xi32>
    %get3A_224 = arith.constant 80 : index
    %get3A_225 = tpu.vector_load %arg9[%get3A_224] {strides = array<i32>} : memref<128xi32, #tpu.memory_space<vmem>>, vector<16xi32>,
    %add3A_226 = arith.addi %mul3A_223, %get3A_225 : vector<16xi32>
    %swap3A_227 = arith.constant 1 : i32
    %swap3A_228 = arith.index_cast %swap3A_227 : i32 to index
    %swap3A_229 = arith.constant 80 : index
    %swap3A_230 = tpu.vector_load %arg10[%swap3A_228, %swap3A_229] {strides = array<i32>} : memref<2x128xi32, #tpu.memory_space<vmem>>, vector<16xi32>,
    tpu.vector_store %arg10[%swap3A_228, %swap3A_229], %add3A_226 {strides = array<i32>} : memref<2x128xi32, #tpu.memory_space<vmem>>, vector<16xi32>,
    %mul3A_231 = arith.constant 200 : i32
    %mul3A_232 = arith.muli %add3A_134, %mul3A_231 : i32
    %get3A_233 = arith.constant 96 : index
    %get3A_234 = tpu.vector_load %arg8[%get3A_233] {strides = array<i32>} : memref<128xi32, #tpu.memory_space<vmem>>, vector<16xi32>,
    %add3A_235 = vector.broadcast %mul3A_232 : i32 to vector<16xi32>
    %add3A_236 = arith.addi %add3A_235, %get3A_234 : vector<16xi32>
    %mul3A_237 = arith.constant 200 : i32
    %mul3A_238 = vector.broadcast %mul3A_237 : i32 to vector<16xi32>
    %mul3A_239 = arith.muli %add3A_236, %mul3A_238 : vector<16xi32>
    %get3A_240 = arith.constant 96 : index
    %get3A_241 = tpu.vector_load %arg9[%get3A_240] {strides = array<i32>} : memref<128xi32, #tpu.memory_space<vmem>>, vector<16xi32>,
    %add3A_242 = arith.addi %mul3A_239, %get3A_241 : vector<16xi32>
    %swap3A_243 = arith.constant 1 : i32
    %swap3A_244 = arith.index_cast %swap3A_243 : i32 to index
    %swap3A_245 = arith.constant 96 : index
    %swap3A_246 = tpu.vector_load %arg10[%swap3A_244, %swap3A_245] {strides = array<i32>} : memref<2x128xi32, #tpu.memory_space<vmem>>, vector<16xi32>,
    tpu.vector_store %arg10[%swap3A_244, %swap3A_245], %add3A_242 {strides = array<i32>} : memref<2x128xi32, #tpu.memory_space<vmem>>, vector<16xi32>,
    %mul3A_247 = arith.constant 200 : i32
    %mul3A_248 = arith.muli %add3A_134, %mul3A_247 : i32
    %get3A_249 = arith.constant 112 : index
    %get3A_250 = tpu.vector_load %arg8[%get3A_249] {strides = array<i32>} : memref<128xi32, #tpu.memory_space<vmem>>, vector<16xi32>,
    %add3A_251 = vector.broadcast %mul3A_248 : i32 to vector<16xi32>
    %add3A_252 = arith.addi %add3A_251, %get3A_250 : vector<16xi32>
    %mul3A_253 = arith.constant 200 : i32
    %mul3A_254 = vector.broadcast %mul3A_253 : i32 to vector<16xi32>
    %mul3A_255 = arith.muli %add3A_252, %mul3A_254 : vector<16xi32>
    %get3A_256 = arith.constant 112 : index
    %get3A_257 = tpu.vector_load %arg9[%get3A_256] {strides = array<i32>} : memref<128xi32, #tpu.memory_space<vmem>>, vector<16xi32>,
    %add3A_258 = arith.addi %mul3A_255, %get3A_257 : vector<16xi32>
    %swap3A_259 = arith.constant 1 : i32
    %swap3A_260 = arith.index_cast %swap3A_259 : i32 to index
    %swap3A_261 = arith.constant 112 : index
    %swap3A_262 = tpu.vector_load %arg10[%swap3A_260, %swap3A_261] {strides = array<i32>} : memref<2x128xi32, #tpu.memory_space<vmem>>, vector<16xi32>,
    tpu.vector_store %arg10[%swap3A_260, %swap3A_261], %add3A_258 {strides = array<i32>} : memref<2x128xi32, #tpu.memory_space<vmem>>, vector<16xi32>,
    %dma_start3A = arith.constant 0 : i32
    %dma_start3A_263 = arith.constant 0 : i32
    %dma_start3A_264 = arith.constant 0 : i32
    %dma_start3A_265 = arith.constant 0 : i32
    %dma_start3A_266 = arith.constant 0 : i32
    %dma_start3A_267 = tpu.memref_slice %arg11[%dma_start3A_263, %dma_start3A_265, %dma_start3A_266] : memref<2x128x128xf32, #tpu.memory_space<vmem>> -> memref<1x128x128xf32, #tpu.memory_space<vmem>>
    %dma_start3A_268 = tpu.memref_squeeze %dma_start3A_267 : memref<1x128x128xf32, #tpu.memory_space<vmem>> -> memref<128x128xf32, #tpu.memory_space<vmem>>
    %dma_start3A_269 = arith.constant 0 : i32
    %dma_start3A_270 = tpu.memref_slice %arg10[%dma_start3A, %dma_start3A_269] : memref<2x128xi32, #tpu.memory_space<vmem>> -> memref<1x128xi32, #tpu.memory_space<vmem>>
    %dma_start3A_271 = tpu.memref_squeeze %dma_start3A_270 : memref<1x128xi32, #tpu.memory_space<vmem>> -> memref<128xi32, #tpu.memory_space<vmem>>
    %dma_start3A_272 = arith.constant 0 : i32
    %dma_start3A_273 = arith.constant 0 : i32
    %dma_start3A_274 = tpu.memref_slice %arg2[%dma_start3A_272, %dma_start3A_273] : memref<2560000x128xf32, #tpu.memory_space<hbm>> -> memref<2560000x128xf32, #tpu.memory_space<hbm>>
    %dma_start3A_275 = tpu.memref_slice %arg13[%dma_start3A_264] : memref<2x!tpu.dma_semaphore, #tpu.memory_space<semaphore_mem>> -> memref<1x!tpu.dma_semaphore, #tpu.memory_space<semaphore_mem>>
    %dma_start3A_276 = tpu.memref_squeeze %dma_start3A_275 : memref<1x!tpu.dma_semaphore, #tpu.memory_space<semaphore_mem>> -> memref<!tpu.dma_semaphore, #tpu.memory_space<semaphore_mem>>
    tpu.enqueue_indirect_dma source(%dma_start3A_274 : memref<2560000x128xf32, #tpu.memory_space<hbm>>) target(%dma_start3A_268 : memref<128x128xf32, #tpu.memory_space<vmem>>) offsets(%dma_start3A_271 : memref<128xi32, #tpu.memory_space<vmem>>) semaphore(%dma_start3A_276 : memref<!tpu.dma_semaphore, #tpu.memory_space<semaphore_mem>>)
    %dma_start3A_277 = arith.constant 1 : i32
    %dma_start3A_278 = arith.constant 1 : i32
    %dma_start3A_279 = arith.constant 1 : i32
    %dma_start3A_280 = arith.constant 0 : i32
    %dma_start3A_281 = arith.constant 0 : i32
    %dma_start3A_282 = tpu.memref_slice %arg11[%dma_start3A_278, %dma_start3A_280, %dma_start3A_281] : memref<2x128x128xf32, #tpu.memory_space<vmem>> -> memref<1x128x128xf32, #tpu.memory_space<vmem>>
    %dma_start3A_283 = tpu.memref_squeeze %dma_start3A_282 : memref<1x128x128xf32, #tpu.memory_space<vmem>> -> memref<128x128xf32, #tpu.memory_space<vmem>>
    %dma_start3A_284 = arith.constant 0 : i32
    %dma_start3A_285 = tpu.memref_slice %arg10[%dma_start3A_277, %dma_start3A_284] : memref<2x128xi32, #tpu.memory_space<vmem>> -> memref<1x128xi32, #tpu.memory_space<vmem>>
    %dma_start3A_286 = tpu.memref_squeeze %dma_start3A_285 : memref<1x128xi32, #tpu.memory_space<vmem>> -> memref<128xi32, #tpu.memory_space<vmem>>
    %dma_start3A_287 = arith.constant 0 : i32
    %dma_start3A_288 = arith.constant 0 : i32
    %dma_start3A_289 = tpu.memref_slice %arg2[%dma_start3A_287, %dma_start3A_288] : memref<2560000x128xf32, #tpu.memory_space<hbm>> -> memref<2560000x128xf32, #tpu.memory_space<hbm>>
    %dma_start3A_290 = tpu.memref_slice %arg13[%dma_start3A_279] : memref<2x!tpu.dma_semaphore, #tpu.memory_space<semaphore_mem>> -> memref<1x!tpu.dma_semaphore, #tpu.memory_space<semaphore_mem>>
    %dma_start3A_291 = tpu.memref_squeeze %dma_start3A_290 : memref<1x!tpu.dma_semaphore, #tpu.memory_space<semaphore_mem>> -> memref<!tpu.dma_semaphore, #tpu.memory_space<semaphore_mem>>
    tpu.enqueue_indirect_dma source(%dma_start3A_289 : memref<2560000x128xf32, #tpu.memory_space<hbm>>) target(%dma_start3A_283 : memref<128x128xf32, #tpu.memory_space<vmem>>) offsets(%dma_start3A_286 : memref<128xi32, #tpu.memory_space<vmem>>) semaphore(%dma_start3A_291 : memref<!tpu.dma_semaphore, #tpu.memory_space<semaphore_mem>>)
    %mul3A_292 = arith.constant 2 : i32
    %mul3A_293 = arith.muli %add3A, %mul3A_292 : i32
    %add3A_294 = arith.constant 0 : i32
    %add3A_295 = arith.addi %mul3A_293, %add3A_294 : i32
    %dma_wait3A = arith.constant 0 : i32
    %dma_wait3A_296 = arith.constant 0 : i32
    %dma_wait3A_297 = arith.constant 0 : i32
    %dma_wait3A_298 = arith.constant 0 : i32
    %dma_wait3A_299 = arith.constant 0 : i32
    %dma_wait3A_300 = tpu.memref_slice %arg11[%dma_wait3A_296, %dma_wait3A_298, %dma_wait3A_299] : memref<2x128x128xf32, #tpu.memory_space<vmem>> -> memref<1x128x128xf32, #tpu.memory_space<vmem>>
    %dma_wait3A_301 = tpu.memref_squeeze %dma_wait3A_300 : memref<1x128x128xf32, #tpu.memory_space<vmem>> -> memref<128x128xf32, #tpu.memory_space<vmem>>
    %dma_wait3A_302 = arith.constant 0 : i32
    %dma_wait3A_303 = tpu.memref_slice %arg10[%dma_wait3A, %dma_wait3A_302] : memref<2x128xi32, #tpu.memory_space<vmem>> -> memref<1x128xi32, #tpu.memory_space<vmem>>
    %dma_wait3A_304 = tpu.memref_squeeze %dma_wait3A_303 : memref<1x128xi32, #tpu.memory_space<vmem>> -> memref<128xi32, #tpu.memory_space<vmem>>
    %dma_wait3A_305 = arith.constant 0 : i32
    %dma_wait3A_306 = arith.constant 0 : i32
    %dma_wait3A_307 = tpu.memref_slice %arg2[%dma_wait3A_305, %dma_wait3A_306] : memref<2560000x128xf32, #tpu.memory_space<hbm>> -> memref<2560000x128xf32, #tpu.memory_space<hbm>>
    %dma_wait3A_308 = tpu.memref_slice %arg13[%dma_wait3A_297] : memref<2x!tpu.dma_semaphore, #tpu.memory_space<semaphore_mem>> -> memref<1x!tpu.dma_semaphore, #tpu.memory_space<semaphore_mem>>
    %dma_wait3A_309 = tpu.memref_squeeze %dma_wait3A_308 : memref<1x!tpu.dma_semaphore, #tpu.memory_space<semaphore_mem>> -> memref<!tpu.dma_semaphore, #tpu.memory_space<semaphore_mem>>
    tpu.wait_indirect_dma semaphore(%dma_wait3A_309 : memref<!tpu.dma_semaphore, #tpu.memory_space<semaphore_mem>>) src(%dma_wait3A_307 : memref<2560000x128xf32, #tpu.memory_space<hbm>>) dst(%dma_wait3A_301 : memref<128x128xf32, #tpu.memory_space<vmem>>)
    %iota3A = tpu.iota {dimensions = array<i32: 0>} : vector<16xi32>
    %add3A_310 = arith.constant 0 : i32
    %add3A_311 = vector.broadcast %add3A_310 : i32 to vector<16xi32>
    %add3A_312 = arith.addi %iota3A, %add3A_311 : vector<16xi32>
    %get3A_313 = arith.constant 0 : index
    %get3A_314 = tpu.vector_load %arg7[%get3A_313] {strides = array<i32>} : memref<128xi32, #tpu.memory_space<vmem>>, vector<16xi32>,
    %gather3A = arith.constant 0 : i32
    %gather3A_315 = arith.constant 0 : i32
    %gather3A_316 = arith.constant 0 : i32
    %gather3A_317 = tpu.memref_slice %arg11[%gather3A, %gather3A_315, %gather3A_316] : memref<2x128x128xf32, #tpu.memory_space<vmem>> -> memref<1x128x128xf32, #tpu.memory_space<vmem>>
    %gather3A_318 = tpu.memref_squeeze %gather3A_317 : memref<1x128x128xf32, #tpu.memory_space<vmem>> -> memref<128x128xf32, #tpu.memory_space<vmem>>
    %gather3A_319 = tpu.vector_load_idx %gather3A_318[%add3A_312, %get3A_314] : memref<128x128xf32, #tpu.memory_space<vmem>>[vector<16xi32>, vector<16xi32>], vector<16xf32>,
    %swap3A_320 = arith.constant 0 : index
    %swap3A_321 = tpu.vector_load %arg12[%swap3A_320] {strides = array<i32>} : memref<128xf32, #tpu.memory_space<vmem>>, vector<16xf32>,
    tpu.vector_store %arg12[%swap3A_320], %gather3A_319 {strides = array<i32>} : memref<128xf32, #tpu.memory_space<vmem>>, vector<16xf32>,
    %iota3A_322 = tpu.iota {dimensions = array<i32: 0>} : vector<16xi32>
    %add3A_323 = arith.constant 16 : i32
    %add3A_324 = vector.broadcast %add3A_323 : i32 to vector<16xi32>
    %add3A_325 = arith.addi %iota3A_322, %add3A_324 : vector<16xi32>
    %get3A_326 = arith.constant 16 : index
    %get3A_327 = tpu.vector_load %arg7[%get3A_326] {strides = array<i32>} : memref<128xi32, #tpu.memory_space<vmem>>, vector<16xi32>,
    %gather3A_328 = arith.constant 0 : i32
    %gather3A_329 = arith.constant 0 : i32
    %gather3A_330 = arith.constant 0 : i32
    %gather3A_331 = tpu.memref_slice %arg11[%gather3A_328, %gather3A_329, %gather3A_330] : memref<2x128x128xf32, #tpu.memory_space<vmem>> -> memref<1x128x128xf32, #tpu.memory_space<vmem>>
    %gather3A_332 = tpu.memref_squeeze %gather3A_331 : memref<1x128x128xf32, #tpu.memory_space<vmem>> -> memref<128x128xf32, #tpu.memory_space<vmem>>
    %gather3A_333 = tpu.vector_load_idx %gather3A_332[%add3A_325, %get3A_327] : memref<128x128xf32, #tpu.memory_space<vmem>>[vector<16xi32>, vector<16xi32>], vector<16xf32>,
    %swap3A_334 = arith.constant 16 : index
    %swap3A_335 = tpu.vector_load %arg12[%swap3A_334] {strides = array<i32>} : memref<128xf32, #tpu.memory_space<vmem>>, vector<16xf32>,
    tpu.vector_store %arg12[%swap3A_334], %gather3A_333 {strides = array<i32>} : memref<128xf32, #tpu.memory_space<vmem>>, vector<16xf32>,
    %iota3A_336 = tpu.iota {dimensions = array<i32: 0>} : vector<16xi32>
    %add3A_337 = arith.constant 32 : i32
    %add3A_338 = vector.broadcast %add3A_337 : i32 to vector<16xi32>
    %add3A_339 = arith.addi %iota3A_336, %add3A_338 : vector<16xi32>
    %get3A_340 = arith.constant 32 : index
    %get3A_341 = tpu.vector_load %arg7[%get3A_340] {strides = array<i32>} : memref<128xi32, #tpu.memory_space<vmem>>, vector<16xi32>,
    %gather3A_342 = arith.constant 0 : i32
    %gather3A_343 = arith.constant 0 : i32
    %gather3A_344 = arith.constant 0 : i32
    %gather3A_345 = tpu.memref_slice %arg11[%gather3A_342, %gather3A_343, %gather3A_344] : memref<2x128x128xf32, #tpu.memory_space<vmem>> -> memref<1x128x128xf32, #tpu.memory_space<vmem>>
    %gather3A_346 = tpu.memref_squeeze %gather3A_345 : memref<1x128x128xf32, #tpu.memory_space<vmem>> -> memref<128x128xf32, #tpu.memory_space<vmem>>
    %gather3A_347 = tpu.vector_load_idx %gather3A_346[%add3A_339, %get3A_341] : memref<128x128xf32, #tpu.memory_space<vmem>>[vector<16xi32>, vector<16xi32>], vector<16xf32>,
    %swap3A_348 = arith.constant 32 : index
    %swap3A_349 = tpu.vector_load %arg12[%swap3A_348] {strides = array<i32>} : memref<128xf32, #tpu.memory_space<vmem>>, vector<16xf32>,
    tpu.vector_store %arg12[%swap3A_348], %gather3A_347 {strides = array<i32>} : memref<128xf32, #tpu.memory_space<vmem>>, vector<16xf32>,
    %iota3A_350 = tpu.iota {dimensions = array<i32: 0>} : vector<16xi32>
    %add3A_351 = arith.constant 48 : i32
    %add3A_352 = vector.broadcast %add3A_351 : i32 to vector<16xi32>
    %add3A_353 = arith.addi %iota3A_350, %add3A_352 : vector<16xi32>
    %get3A_354 = arith.constant 48 : index
    %get3A_355 = tpu.vector_load %arg7[%get3A_354] {strides = array<i32>} : memref<128xi32, #tpu.memory_space<vmem>>, vector<16xi32>,
    %gather3A_356 = arith.constant 0 : i32
    %gather3A_357 = arith.constant 0 : i32
    %gather3A_358 = arith.constant 0 : i32
    %gather3A_359 = tpu.memref_slice %arg11[%gather3A_356, %gather3A_357, %gather3A_358] : memref<2x128x128xf32, #tpu.memory_space<vmem>> -> memref<1x128x128xf32, #tpu.memory_space<vmem>>
    %gather3A_360 = tpu.memref_squeeze %gather3A_359 : memref<1x128x128xf32, #tpu.memory_space<vmem>> -> memref<128x128xf32, #tpu.memory_space<vmem>>
    %gather3A_361 = tpu.vector_load_idx %gather3A_360[%add3A_353, %get3A_355] : memref<128x128xf32, #tpu.memory_space<vmem>>[vector<16xi32>, vector<16xi32>], vector<16xf32>,
    %swap3A_362 = arith.constant 48 : index
    %swap3A_363 = tpu.vector_load %arg12[%swap3A_362] {strides = array<i32>} : memref<128xf32, #tpu.memory_space<vmem>>, vector<16xf32>,
    tpu.vector_store %arg12[%swap3A_362], %gather3A_361 {strides = array<i32>} : memref<128xf32, #tpu.memory_space<vmem>>, vector<16xf32>,
    %iota3A_364 = tpu.iota {dimensions = array<i32: 0>} : vector<16xi32>
    %add3A_365 = arith.constant 64 : i32
    %add3A_366 = vector.broadcast %add3A_365 : i32 to vector<16xi32>
    %add3A_367 = arith.addi %iota3A_364, %add3A_366 : vector<16xi32>
    %get3A_368 = arith.constant 64 : index
    %get3A_369 = tpu.vector_load %arg7[%get3A_368] {strides = array<i32>} : memref<128xi32, #tpu.memory_space<vmem>>, vector<16xi32>,
    %gather3A_370 = arith.constant 0 : i32
    %gather3A_371 = arith.constant 0 : i32
    %gather3A_372 = arith.constant 0 : i32
    %gather3A_373 = tpu.memref_slice %arg11[%gather3A_370, %gather3A_371, %gather3A_372] : memref<2x128x128xf32, #tpu.memory_space<vmem>> -> memref<1x128x128xf32, #tpu.memory_space<vmem>>
    %gather3A_374 = tpu.memref_squeeze %gather3A_373 : memref<1x128x128xf32, #tpu.memory_space<vmem>> -> memref<128x128xf32, #tpu.memory_space<vmem>>
    %gather3A_375 = tpu.vector_load_idx %gather3A_374[%add3A_367, %get3A_369] : memref<128x128xf32, #tpu.memory_space<vmem>>[vector<16xi32>, vector<16xi32>], vector<16xf32>,
    %swap3A_376 = arith.constant 64 : index
    %swap3A_377 = tpu.vector_load %arg12[%swap3A_376] {strides = array<i32>} : memref<128xf32, #tpu.memory_space<vmem>>, vector<16xf32>,
    tpu.vector_store %arg12[%swap3A_376], %gather3A_375 {strides = array<i32>} : memref<128xf32, #tpu.memory_space<vmem>>, vector<16xf32>,
    %iota3A_378 = tpu.iota {dimensions = array<i32: 0>} : vector<16xi32>
    %add3A_379 = arith.constant 80 : i32
    %add3A_380 = vector.broadcast %add3A_379 : i32 to vector<16xi32>
    %add3A_381 = arith.addi %iota3A_378, %add3A_380 : vector<16xi32>
    %get3A_382 = arith.constant 80 : index
    %get3A_383 = tpu.vector_load %arg7[%get3A_382] {strides = array<i32>} : memref<128xi32, #tpu.memory_space<vmem>>, vector<16xi32>,
    %gather3A_384 = arith.constant 0 : i32
    %gather3A_385 = arith.constant 0 : i32
    %gather3A_386 = arith.constant 0 : i32
    %gather3A_387 = tpu.memref_slice %arg11[%gather3A_384, %gather3A_385, %gather3A_386] : memref<2x128x128xf32, #tpu.memory_space<vmem>> -> memref<1x128x128xf32, #tpu.memory_space<vmem>>
    %gather3A_388 = tpu.memref_squeeze %gather3A_387 : memref<1x128x128xf32, #tpu.memory_space<vmem>> -> memref<128x128xf32, #tpu.memory_space<vmem>>
    %gather3A_389 = tpu.vector_load_idx %gather3A_388[%add3A_381, %get3A_383] : memref<128x128xf32, #tpu.memory_space<vmem>>[vector<16xi32>, vector<16xi32>], vector<16xf32>,
    %swap3A_390 = arith.constant 80 : index
    %swap3A_391 = tpu.vector_load %arg12[%swap3A_390] {strides = array<i32>} : memref<128xf32, #tpu.memory_space<vmem>>, vector<16xf32>,
    tpu.vector_store %arg12[%swap3A_390], %gather3A_389 {strides = array<i32>} : memref<128xf32, #tpu.memory_space<vmem>>, vector<16xf32>,
    %iota3A_392 = tpu.iota {dimensions = array<i32: 0>} : vector<16xi32>
    %add3A_393 = arith.constant 96 : i32
    %add3A_394 = vector.broadcast %add3A_393 : i32 to vector<16xi32>
    %add3A_395 = arith.addi %iota3A_392, %add3A_394 : vector<16xi32>
    %get3A_396 = arith.constant 96 : index
    %get3A_397 = tpu.vector_load %arg7[%get3A_396] {strides = array<i32>} : memref<128xi32, #tpu.memory_space<vmem>>, vector<16xi32>,
    %gather3A_398 = arith.constant 0 : i32
    %gather3A_399 = arith.constant 0 : i32
    %gather3A_400 = arith.constant 0 : i32
    %gather3A_401 = tpu.memref_slice %arg11[%gather3A_398, %gather3A_399, %gather3A_400] : memref<2x128x128xf32, #tpu.memory_space<vmem>> -> memref<1x128x128xf32, #tpu.memory_space<vmem>>
    %gather3A_402 = tpu.memref_squeeze %gather3A_401 : memref<1x128x128xf32, #tpu.memory_space<vmem>> -> memref<128x128xf32, #tpu.memory_space<vmem>>
    %gather3A_403 = tpu.vector_load_idx %gather3A_402[%add3A_395, %get3A_397] : memref<128x128xf32, #tpu.memory_space<vmem>>[vector<16xi32>, vector<16xi32>], vector<16xf32>,
    %swap3A_404 = arith.constant 96 : index
    %swap3A_405 = tpu.vector_load %arg12[%swap3A_404] {strides = array<i32>} : memref<128xf32, #tpu.memory_space<vmem>>, vector<16xf32>,
    tpu.vector_store %arg12[%swap3A_404], %gather3A_403 {strides = array<i32>} : memref<128xf32, #tpu.memory_space<vmem>>, vector<16xf32>,
    %iota3A_406 = tpu.iota {dimensions = array<i32: 0>} : vector<16xi32>
    %add3A_407 = arith.constant 112 : i32
    %add3A_408 = vector.broadcast %add3A_407 : i32 to vector<16xi32>
    %add3A_409 = arith.addi %iota3A_406, %add3A_408 : vector<16xi32>
    %get3A_410 = arith.constant 112 : index
    %get3A_411 = tpu.vector_load %arg7[%get3A_410] {strides = array<i32>} : memref<128xi32, #tpu.memory_space<vmem>>, vector<16xi32>,
    %gather3A_412 = arith.constant 0 : i32
    %gather3A_413 = arith.constant 0 : i32
    %gather3A_414 = arith.constant 0 : i32
    %gather3A_415 = tpu.memref_slice %arg11[%gather3A_412, %gather3A_413, %gather3A_414] : memref<2x128x128xf32, #tpu.memory_space<vmem>> -> memref<1x128x128xf32, #tpu.memory_space<vmem>>
    %gather3A_416 = tpu.memref_squeeze %gather3A_415 : memref<1x128x128xf32, #tpu.memory_space<vmem>> -> memref<128x128xf32, #tpu.memory_space<vmem>>
    %gather3A_417 = tpu.vector_load_idx %gather3A_416[%add3A_409, %get3A_411] : memref<128x128xf32, #tpu.memory_space<vmem>>[vector<16xi32>, vector<16xi32>], vector<16xf32>,
    %swap3A_418 = arith.constant 112 : index
    %swap3A_419 = tpu.vector_load %arg12[%swap3A_418] {strides = array<i32>} : memref<128xf32, #tpu.memory_space<vmem>>, vector<16xf32>,
    tpu.vector_store %arg12[%swap3A_418], %gather3A_417 {strides = array<i32>} : memref<128xf32, #tpu.memory_space<vmem>>, vector<16xf32>,
    %mul3A_420 = arith.constant 128 : i32
    %mul3A_421 = arith.muli %add3A_295, %mul3A_420 : i32
    "tpu.region"() ({
      %run_scoped3A = tpu.sem_alloc : memref<!tpu.dma_semaphore, #tpu.memory_space<semaphore_mem>>
      %dma_start3A_555 = tpu.memref_slice %arg6[%mul3A_421] : memref<8192xf32, #tpu.memory_space<hbm>> -> memref<128xf32, #tpu.memory_space<hbm>>
      %dma_start3A_556 = tpu.memref_slice %arg6[%mul3A_421] : memref<8192xf32, #tpu.memory_space<hbm>> -> memref<128xf32, #tpu.memory_space<hbm>>
      tpu.enqueue_dma source(%arg12 : memref<128xf32, #tpu.memory_space<vmem>>) target(%dma_start3A_556 : memref<128xf32, #tpu.memory_space<hbm>>) target_semaphore(%run_scoped3A : memref<!tpu.dma_semaphore, #tpu.memory_space<semaphore_mem>>)
      %dma_wait3A_557 = tpu.memref_slice %arg6[%mul3A_421] : memref<8192xf32, #tpu.memory_space<hbm>> -> memref<128xf32, #tpu.memory_space<hbm>>
      %dma_wait3A_558 = tpu.memref_slice %arg6[%mul3A_421] : memref<8192xf32, #tpu.memory_space<hbm>> -> memref<128xf32, #tpu.memory_space<hbm>>
      tpu.wait_dma2 semaphore(%run_scoped3A : memref<!tpu.dma_semaphore, #tpu.memory_space<semaphore_mem>>) src(%arg12 : memref<128xf32, #tpu.memory_space<vmem>>) dst(%dma_wait3A_558 : memref<128xf32, #tpu.memory_space<hbm>>)
      tpu.yield
    }) : () -> ()
    %mul3A_422 = arith.constant 2 : i32
    %mul3A_423 = arith.muli %add3A, %mul3A_422 : i32
    %add3A_424 = arith.constant 1 : i32
    %add3A_425 = arith.addi %mul3A_423, %add3A_424 : i32
    %dma_wait3A_426 = arith.constant 1 : i32
    %dma_wait3A_427 = arith.constant 1 : i32
    %dma_wait3A_428 = arith.constant 1 : i32
    %dma_wait3A_429 = arith.constant 0 : i32
    %dma_wait3A_430 = arith.constant 0 : i32
    %dma_wait3A_431 = tpu.memref_slice %arg11[%dma_wait3A_427, %dma_wait3A_429, %dma_wait3A_430] : memref<2x128x128xf32, #tpu.memory_space<vmem>> -> memref<1x128x128xf32, #tpu.memory_space<vmem>>
    %dma_wait3A_432 = tpu.memref_squeeze %dma_wait3A_431 : memref<1x128x128xf32, #tpu.memory_space<vmem>> -> memref<128x128xf32, #tpu.memory_space<vmem>>
    %dma_wait3A_433 = arith.constant 0 : i32
    %dma_wait3A_434 = tpu.memref_slice %arg10[%dma_wait3A_426, %dma_wait3A_433] : memref<2x128xi32, #tpu.memory_space<vmem>> -> memref<1x128xi32, #tpu.memory_space<vmem>>
    %dma_wait3A_435 = tpu.memref_squeeze %dma_wait3A_434 : memref<1x128xi32, #tpu.memory_space<vmem>> -> memref<128xi32, #tpu.memory_space<vmem>>
    %dma_wait3A_436 = arith.constant 0 : i32
    %dma_wait3A_437 = arith.constant 0 : i32
    %dma_wait3A_438 = tpu.memref_slice %arg2[%dma_wait3A_436, %dma_wait3A_437] : memref<2560000x128xf32, #tpu.memory_space<hbm>> -> memref<2560000x128xf32, #tpu.memory_space<hbm>>
    %dma_wait3A_439 = tpu.memref_slice %arg13[%dma_wait3A_428] : memref<2x!tpu.dma_semaphore, #tpu.memory_space<semaphore_mem>> -> memref<1x!tpu.dma_semaphore, #tpu.memory_space<semaphore_mem>>
    %dma_wait3A_440 = tpu.memref_squeeze %dma_wait3A_439 : memref<1x!tpu.dma_semaphore, #tpu.memory_space<semaphore_mem>> -> memref<!tpu.dma_semaphore, #tpu.memory_space<semaphore_mem>>
    tpu.wait_indirect_dma semaphore(%dma_wait3A_440 : memref<!tpu.dma_semaphore, #tpu.memory_space<semaphore_mem>>) src(%dma_wait3A_438 : memref<2560000x128xf32, #tpu.memory_space<hbm>>) dst(%dma_wait3A_432 : memref<128x128xf32, #tpu.memory_space<vmem>>)
    %iota3A_441 = tpu.iota {dimensions = array<i32: 0>} : vector<16xi32>
    %add3A_442 = arith.constant 0 : i32
    %add3A_443 = vector.broadcast %add3A_442 : i32 to vector<16xi32>
    %add3A_444 = arith.addi %iota3A_441, %add3A_443 : vector<16xi32>
    %get3A_445 = arith.constant 0 : index
    %get3A_446 = tpu.vector_load %arg7[%get3A_445] {strides = array<i32>} : memref<128xi32, #tpu.memory_space<vmem>>, vector<16xi32>,
    %gather3A_447 = arith.constant 1 : i32
    %gather3A_448 = arith.constant 0 : i32
    %gather3A_449 = arith.constant 0 : i32
    %gather3A_450 = tpu.memref_slice %arg11[%gather3A_447, %gather3A_448, %gather3A_449] : memref<2x128x128xf32, #tpu.memory_space<vmem>> -> memref<1x128x128xf32, #tpu.memory_space<vmem>>
    %gather3A_451 = tpu.memref_squeeze %gather3A_450 : memref<1x128x128xf32, #tpu.memory_space<vmem>> -> memref<128x128xf32, #tpu.memory_space<vmem>>
    %gather3A_452 = tpu.vector_load_idx %gather3A_451[%add3A_444, %get3A_446] : memref<128x128xf32, #tpu.memory_space<vmem>>[vector<16xi32>, vector<16xi32>], vector<16xf32>,
    %swap3A_453 = arith.constant 0 : index
    %swap3A_454 = tpu.vector_load %arg12[%swap3A_453] {strides = array<i32>} : memref<128xf32, #tpu.memory_space<vmem>>, vector<16xf32>,
    tpu.vector_store %arg12[%swap3A_453], %gather3A_452 {strides = array<i32>} : memref<128xf32, #tpu.memory_space<vmem>>, vector<16xf32>,
    %iota3A_455 = tpu.iota {dimensions = array<i32: 0>} : vector<16xi32>
    %add3A_456 = arith.constant 16 : i32
    %add3A_457 = vector.broadcast %add3A_456 : i32 to vector<16xi32>
    %add3A_458 = arith.addi %iota3A_455, %add3A_457 : vector<16xi32>
    %get3A_459 = arith.constant 16 : index
    %get3A_460 = tpu.vector_load %arg7[%get3A_459] {strides = array<i32>} : memref<128xi32, #tpu.memory_space<vmem>>, vector<16xi32>,
    %gather3A_461 = arith.constant 1 : i32
    %gather3A_462 = arith.constant 0 : i32
    %gather3A_463 = arith.constant 0 : i32
    %gather3A_464 = tpu.memref_slice %arg11[%gather3A_461, %gather3A_462, %gather3A_463] : memref<2x128x128xf32, #tpu.memory_space<vmem>> -> memref<1x128x128xf32, #tpu.memory_space<vmem>>
    %gather3A_465 = tpu.memref_squeeze %gather3A_464 : memref<1x128x128xf32, #tpu.memory_space<vmem>> -> memref<128x128xf32, #tpu.memory_space<vmem>>
    %gather3A_466 = tpu.vector_load_idx %gather3A_465[%add3A_458, %get3A_460] : memref<128x128xf32, #tpu.memory_space<vmem>>[vector<16xi32>, vector<16xi32>], vector<16xf32>,
    %swap3A_467 = arith.constant 16 : index
    %swap3A_468 = tpu.vector_load %arg12[%swap3A_467] {strides = array<i32>} : memref<128xf32, #tpu.memory_space<vmem>>, vector<16xf32>,
    tpu.vector_store %arg12[%swap3A_467], %gather3A_466 {strides = array<i32>} : memref<128xf32, #tpu.memory_space<vmem>>, vector<16xf32>,
    %iota3A_469 = tpu.iota {dimensions = array<i32: 0>} : vector<16xi32>
    %add3A_470 = arith.constant 32 : i32
    %add3A_471 = vector.broadcast %add3A_470 : i32 to vector<16xi32>
    %add3A_472 = arith.addi %iota3A_469, %add3A_471 : vector<16xi32>
    %get3A_473 = arith.constant 32 : index
    %get3A_474 = tpu.vector_load %arg7[%get3A_473] {strides = array<i32>} : memref<128xi32, #tpu.memory_space<vmem>>, vector<16xi32>,
    %gather3A_475 = arith.constant 1 : i32
    %gather3A_476 = arith.constant 0 : i32
    %gather3A_477 = arith.constant 0 : i32
    %gather3A_478 = tpu.memref_slice %arg11[%gather3A_475, %gather3A_476, %gather3A_477] : memref<2x128x128xf32, #tpu.memory_space<vmem>> -> memref<1x128x128xf32, #tpu.memory_space<vmem>>
    %gather3A_479 = tpu.memref_squeeze %gather3A_478 : memref<1x128x128xf32, #tpu.memory_space<vmem>> -> memref<128x128xf32, #tpu.memory_space<vmem>>
    %gather3A_480 = tpu.vector_load_idx %gather3A_479[%add3A_472, %get3A_474] : memref<128x128xf32, #tpu.memory_space<vmem>>[vector<16xi32>, vector<16xi32>], vector<16xf32>,
    %swap3A_481 = arith.constant 32 : index
    %swap3A_482 = tpu.vector_load %arg12[%swap3A_481] {strides = array<i32>} : memref<128xf32, #tpu.memory_space<vmem>>, vector<16xf32>,
    tpu.vector_store %arg12[%swap3A_481], %gather3A_480 {strides = array<i32>} : memref<128xf32, #tpu.memory_space<vmem>>, vector<16xf32>,
    %iota3A_483 = tpu.iota {dimensions = array<i32: 0>} : vector<16xi32>
    %add3A_484 = arith.constant 48 : i32
    %add3A_485 = vector.broadcast %add3A_484 : i32 to vector<16xi32>
    %add3A_486 = arith.addi %iota3A_483, %add3A_485 : vector<16xi32>
    %get3A_487 = arith.constant 48 : index
    %get3A_488 = tpu.vector_load %arg7[%get3A_487] {strides = array<i32>} : memref<128xi32, #tpu.memory_space<vmem>>, vector<16xi32>,
    %gather3A_489 = arith.constant 1 : i32
    %gather3A_490 = arith.constant 0 : i32
    %gather3A_491 = arith.constant 0 : i32
    %gather3A_492 = tpu.memref_slice %arg11[%gather3A_489, %gather3A_490, %gather3A_491] : memref<2x128x128xf32, #tpu.memory_space<vmem>> -> memref<1x128x128xf32, #tpu.memory_space<vmem>>
    %gather3A_493 = tpu.memref_squeeze %gather3A_492 : memref<1x128x128xf32, #tpu.memory_space<vmem>> -> memref<128x128xf32, #tpu.memory_space<vmem>>
    %gather3A_494 = tpu.vector_load_idx %gather3A_493[%add3A_486, %get3A_488] : memref<128x128xf32, #tpu.memory_space<vmem>>[vector<16xi32>, vector<16xi32>], vector<16xf32>,
    %swap3A_495 = arith.constant 48 : index
    %swap3A_496 = tpu.vector_load %arg12[%swap3A_495] {strides = array<i32>} : memref<128xf32, #tpu.memory_space<vmem>>, vector<16xf32>,
    tpu.vector_store %arg12[%swap3A_495], %gather3A_494 {strides = array<i32>} : memref<128xf32, #tpu.memory_space<vmem>>, vector<16xf32>,
    %iota3A_497 = tpu.iota {dimensions = array<i32: 0>} : vector<16xi32>
    %add3A_498 = arith.constant 64 : i32
    %add3A_499 = vector.broadcast %add3A_498 : i32 to vector<16xi32>
    %add3A_500 = arith.addi %iota3A_497, %add3A_499 : vector<16xi32>
    %get3A_501 = arith.constant 64 : index
    %get3A_502 = tpu.vector_load %arg7[%get3A_501] {strides = array<i32>} : memref<128xi32, #tpu.memory_space<vmem>>, vector<16xi32>,
    %gather3A_503 = arith.constant 1 : i32
    %gather3A_504 = arith.constant 0 : i32
    %gather3A_505 = arith.constant 0 : i32
    %gather3A_506 = tpu.memref_slice %arg11[%gather3A_503, %gather3A_504, %gather3A_505] : memref<2x128x128xf32, #tpu.memory_space<vmem>> -> memref<1x128x128xf32, #tpu.memory_space<vmem>>
    %gather3A_507 = tpu.memref_squeeze %gather3A_506 : memref<1x128x128xf32, #tpu.memory_space<vmem>> -> memref<128x128xf32, #tpu.memory_space<vmem>>
    %gather3A_508 = tpu.vector_load_idx %gather3A_507[%add3A_500, %get3A_502] : memref<128x128xf32, #tpu.memory_space<vmem>>[vector<16xi32>, vector<16xi32>], vector<16xf32>,
    %swap3A_509 = arith.constant 64 : index
    %swap3A_510 = tpu.vector_load %arg12[%swap3A_509] {strides = array<i32>} : memref<128xf32, #tpu.memory_space<vmem>>, vector<16xf32>,
    tpu.vector_store %arg12[%swap3A_509], %gather3A_508 {strides = array<i32>} : memref<128xf32, #tpu.memory_space<vmem>>, vector<16xf32>,
    %iota3A_511 = tpu.iota {dimensions = array<i32: 0>} : vector<16xi32>
    %add3A_512 = arith.constant 80 : i32
    %add3A_513 = vector.broadcast %add3A_512 : i32 to vector<16xi32>
    %add3A_514 = arith.addi %iota3A_511, %add3A_513 : vector<16xi32>
    %get3A_515 = arith.constant 80 : index
    %get3A_516 = tpu.vector_load %arg7[%get3A_515] {strides = array<i32>} : memref<128xi32, #tpu.memory_space<vmem>>, vector<16xi32>,
    %gather3A_517 = arith.constant 1 : i32
    %gather3A_518 = arith.constant 0 : i32
    %gather3A_519 = arith.constant 0 : i32
    %gather3A_520 = tpu.memref_slice %arg11[%gather3A_517, %gather3A_518, %gather3A_519] : memref<2x128x128xf32, #tpu.memory_space<vmem>> -> memref<1x128x128xf32, #tpu.memory_space<vmem>>
    %gather3A_521 = tpu.memref_squeeze %gather3A_520 : memref<1x128x128xf32, #tpu.memory_space<vmem>> -> memref<128x128xf32, #tpu.memory_space<vmem>>
    %gather3A_522 = tpu.vector_load_idx %gather3A_521[%add3A_514, %get3A_516] : memref<128x128xf32, #tpu.memory_space<vmem>>[vector<16xi32>, vector<16xi32>], vector<16xf32>,
    %swap3A_523 = arith.constant 80 : index
    %swap3A_524 = tpu.vector_load %arg12[%swap3A_523] {strides = array<i32>} : memref<128xf32, #tpu.memory_space<vmem>>, vector<16xf32>,
    tpu.vector_store %arg12[%swap3A_523], %gather3A_522 {strides = array<i32>} : memref<128xf32, #tpu.memory_space<vmem>>, vector<16xf32>,
    %iota3A_525 = tpu.iota {dimensions = array<i32: 0>} : vector<16xi32>
    %add3A_526 = arith.constant 96 : i32
    %add3A_527 = vector.broadcast %add3A_526 : i32 to vector<16xi32>
    %add3A_528 = arith.addi %iota3A_525, %add3A_527 : vector<16xi32>
    %get3A_529 = arith.constant 96 : index
    %get3A_530 = tpu.vector_load %arg7[%get3A_529] {strides = array<i32>} : memref<128xi32, #tpu.memory_space<vmem>>, vector<16xi32>,
    %gather3A_531 = arith.constant 1 : i32
    %gather3A_532 = arith.constant 0 : i32
    %gather3A_533 = arith.constant 0 : i32
    %gather3A_534 = tpu.memref_slice %arg11[%gather3A_531, %gather3A_532, %gather3A_533] : memref<2x128x128xf32, #tpu.memory_space<vmem>> -> memref<1x128x128xf32, #tpu.memory_space<vmem>>
    %gather3A_535 = tpu.memref_squeeze %gather3A_534 : memref<1x128x128xf32, #tpu.memory_space<vmem>> -> memref<128x128xf32, #tpu.memory_space<vmem>>
    %gather3A_536 = tpu.vector_load_idx %gather3A_535[%add3A_528, %get3A_530] : memref<128x128xf32, #tpu.memory_space<vmem>>[vector<16xi32>, vector<16xi32>], vector<16xf32>,
    %swap3A_537 = arith.constant 96 : index
    %swap3A_538 = tpu.vector_load %arg12[%swap3A_537] {strides = array<i32>} : memref<128xf32, #tpu.memory_space<vmem>>, vector<16xf32>,
    tpu.vector_store %arg12[%swap3A_537], %gather3A_536 {strides = array<i32>} : memref<128xf32, #tpu.memory_space<vmem>>, vector<16xf32>,
    %iota3A_539 = tpu.iota {dimensions = array<i32: 0>} : vector<16xi32>
    %add3A_540 = arith.constant 112 : i32
    %add3A_541 = vector.broadcast %add3A_540 : i32 to vector<16xi32>
    %add3A_542 = arith.addi %iota3A_539, %add3A_541 : vector<16xi32>
    %get3A_543 = arith.constant 112 : index
    %get3A_544 = tpu.vector_load %arg7[%get3A_543] {strides = array<i32>} : memref<128xi32, #tpu.memory_space<vmem>>, vector<16xi32>,
    %gather3A_545 = arith.constant 1 : i32
    %gather3A_546 = arith.constant 0 : i32
    %gather3A_547 = arith.constant 0 : i32
    %gather3A_548 = tpu.memref_slice %arg11[%gather3A_545, %gather3A_546, %gather3A_547] : memref<2x128x128xf32, #tpu.memory_space<vmem>> -> memref<1x128x128xf32, #tpu.memory_space<vmem>>
    %gather3A_549 = tpu.memref_squeeze %gather3A_548 : memref<1x128x128xf32, #tpu.memory_space<vmem>> -> memref<128x128xf32, #tpu.memory_space<vmem>>
    %gather3A_550 = tpu.vector_load_idx %gather3A_549[%add3A_542, %get3A_544] : memref<128x128xf32, #tpu.memory_space<vmem>>[vector<16xi32>, vector<16xi32>], vector<16xf32>,
    %swap3A_551 = arith.constant 112 : index
    %swap3A_552 = tpu.vector_load %arg12[%swap3A_551] {strides = array<i32>} : memref<128xf32, #tpu.memory_space<vmem>>, vector<16xf32>,
    tpu.vector_store %arg12[%swap3A_551], %gather3A_550 {strides = array<i32>} : memref<128xf32, #tpu.memory_space<vmem>>, vector<16xf32>,
    %mul3A_553 = arith.constant 128 : i32
    %mul3A_554 = arith.muli %add3A_425, %mul3A_553 : i32
    "tpu.region"() ({
      %run_scoped3A = tpu.sem_alloc : memref<!tpu.dma_semaphore, #tpu.memory_space<semaphore_mem>>
      %dma_start3A_555 = tpu.memref_slice %arg6[%mul3A_554] : memref<8192xf32, #tpu.memory_space<hbm>> -> memref<128xf32, #tpu.memory_space<hbm>>
      %dma_start3A_556 = tpu.memref_slice %arg6[%mul3A_554] : memref<8192xf32, #tpu.memory_space<hbm>> -> memref<128xf32, #tpu.memory_space<hbm>>
      tpu.enqueue_dma source(%arg12 : memref<128xf32, #tpu.memory_space<vmem>>) target(%dma_start3A_556 : memref<128xf32, #tpu.memory_space<hbm>>) target_semaphore(%run_scoped3A : memref<!tpu.dma_semaphore, #tpu.memory_space<semaphore_mem>>)
      %dma_wait3A_557 = tpu.memref_slice %arg6[%mul3A_554] : memref<8192xf32, #tpu.memory_space<hbm>> -> memref<128xf32, #tpu.memory_space<hbm>>
      %dma_wait3A_558 = tpu.memref_slice %arg6[%mul3A_554] : memref<8192xf32, #tpu.memory_space<hbm>> -> memref<128xf32, #tpu.memory_space<hbm>>
      tpu.wait_dma2 semaphore(%run_scoped3A : memref<!tpu.dma_semaphore, #tpu.memory_space<semaphore_mem>>) src(%arg12 : memref<128xf32, #tpu.memory_space<vmem>>) dst(%dma_wait3A_558 : memref<128xf32, #tpu.memory_space<hbm>>)
      tpu.yield
    }) : () -> ()
    return
  }
}

</mosaic_0001>

<sc_bundles>
// kernel: kernel.3.cloned.1.call-start
scs
__scs_entry_jumppad:
0x0: {  	(pc) =	sbr.rel $0x88, $3  }
0x1: {  	(tag) =	ssettag $0x0;
	lr =	simm.s32 $0x1  }
0x2: {  	[smem:$0x3F9E] =	sst lr;
	_ =	strace $0xD0000000  }
0x3: {  	_ = 	snop  }
0x4: {  	_ = 	snop  }
0x5: {  	_ = 	snop  }
0x6: {  	_ = 	snop  }
0x7: {  	_ = 	snop  }
__scs_overlays_trampoline_lowered:
0x8: {  	[smem:$0x3FAD] =	sst s0  }
0x9: {  	[smem:$0x3FAE] =	sst s1  }
0xa: {  	[smem:$0x3FAF] =	sst s2  }
0xb: {  	[smem:$0x3FB0] =	sst s3  }
0xc: {  	[smem:$0x3FB1] =	sst s4  }
0xd: {  	[smem:$0x3FB2] =	sst s5  }
0xe: {  	[smem:$0x3FB3] =	sst s6  }
0xf: {  	[smem:$0x3FB4] =	sst s7  }
0x10: {  	[smem:$0x3FB5] =	sst s8  }
0x11: {  	[smem:$0x3FB6] =	sst s9;
	s0 =	simm.s32 @!p0 $0x0  }
0x12: {  	s1 =	sld [smem:$0x3F9C];
	s0 =	simm.s32 @p0 $0x1  }
0x13: {  	[smem:$0x3FB7] =	sst s0;
	s0 =	simm.s32 @!p1 $0x0  }
0x14: {  	s2 =	sld [smem:$0x3F9B];
	s0 =	simm.s32 @p1 $0x1  }
0x15: {  	[smem:$0x3FB8] =	sst s0;
	s0 =	simm.s32 @!p2 $0x0  }
0x16: {  	s3 =	sld [smem:$0x3FDB];
	s0 =	simm.s32 @p2 $0x1  }
0x17: {  	s4 =	simm.s32 $0x1BF5;
	[smem:$0x3FBA] =	sst s0  }
0x18: {  	s0 =	sld [smem:$0x3F9D];
	_ =	swait.ge [sflag:s4], $0x0  }
0x19: {  	s7 =	sld [smem:$0x3F9E]  }
0x1a: {  	s8 =	sadd.s32 $0xFFFFE003, lr  }
0x1b: {  	s9 =	sadd.s32 $0xFFFFFEF7, lr;
	s5 =	simm.s32 $0xFFFFFFFF;
	p2 =	slt.u32 s8, $0xFFFFF086  }
0x1c: {  	p1 =	slt.u32 s9, $0xF7A;
	s5 =	simm.s32 @!p2 $0x0  }
0x1d: {  	s5 =	simm.s32 @p1 $0x1;
	p0 =	seq.s32 s7, s2  }
0x1e: {  	s7 =	smul.u32 @!p0 $0xF7A, s2;
	p2 =	seq.s32 @!p0 s5, $0x0  }
0x1f: {  	s9 =	smul.u32 $0xF7A, s1;
	s8 =	simm.s32 @!p0 $0x1BF5;
	p2 =	por !p2, p0  }
0x20: {  	[sflag:s8] =	ssyncset.s32 @!p0 $0xFFFFF086;
	s6 =	sadd.s32 @!p0 s3, s7;
	s7 =	simm.s32 @!p0 $0x108  }
0x21: {  	s3 =	sadd.s32 s3, s9;
	s6 =	sadd.s32 @!p0 $0x88, s6;
	s7 =	simm.s32 @p2 $0x1082  }
0x22: {  	[simem:s7], [sflag:s8] =	dma.local @!p0 [hbm:s6], $0xF7A  }
0x23: {  	s9 =	sor.u32 $0xD0000000, s2;
	s6 =	simm.s32 $0x108;
	_ =	swait.ge @!p0 [sflag:s8], $0x0  }
0x24: {  	s3 =	sadd.s32 $0x88, s3;
	s6 =	simm.s32 @!p1 $0x1082;
	[sflag:s4] =	ssyncset.s32 $0xFFFFF086  }
0x25: {  	[simem:s6], [sflag:s4] =	dma.local [hbm:s3], $0xF7A  }
0x26: {  	[smem:$0x3F9E] =	sst s1;
	(tag) =	ssettag s2;
	_ =	strace s9  }
0x27: {  	s1 =	sld [smem:$0x3FAE]  }
0x28: {  	s2 =	sld [smem:$0x3FAF]  }
0x29: {  	s4 =	sld [smem:$0x3FB1]  }
0x2a: {  	p0 =	seq.s32 s5, $0x0;
	s5 =	sld [smem:$0x3FB2]  }
0x2b: {  	s6 =	sld [smem:$0x3FB3]  }
0x2c: {  	s7 =	sld [smem:$0x3FB4]  }
0x2d: {  	s3 =	simm.s32 $0x108;
	s8 =	sld [smem:$0x3FB5]  }
0x2e: {  	s3 =	simm.s32 @!p0 $0x1082;
	s9 =	sld [smem:$0x3FB6]  }
0x2f: {  	lr =	sadd.s32 s0, s3;
	s0 =	sld [smem:$0x3FAD]  }
0x30: {  	s3 =	sld [smem:$0x3FB0]  }
0x31: {  	[smem:$0x3FB9] =	sst s10  }
0x32: {  	s10 =	sld [smem:$0x3FB7];
	_ =	sdelay $0x3  }
0x33: {  	p0 =	seq.s32 s10, $0x1;
	s10 =	sld [smem:$0x3FB9];
	_ =	sdelay $0x3  }
0x34: {  	[smem:$0x3FB9] =	sst s10  }
0x35: {  	s10 =	sld [smem:$0x3FB8];
	_ =	sdelay $0x3  }
0x36: {  	p1 =	seq.s32 s10, $0x1;
	s10 =	sld [smem:$0x3FB9];
	_ =	sdelay $0x3  }
0x37: {  	[smem:$0x3FB9] =	sst s10  }
0x38: {  	s10 =	sld [smem:$0x3FBA]  }
0x39: {  	_ = 	snop;
	(pc) =	sbr.ind lr, $3  }
0x3a: {  	_ = 	snop  }
0x3b: {  	_ = 	snop  }
0x3c: {  	p2 =	seq.s32 s10, $0x1;
	s10 =	sld [smem:$0x3FB9]  }
0x3d: {  	_ =	shalt  }
0x3e: {  	_ =	shalt  }
0x3f: {  	_ =	shalt  }
0x40: {  	_ =	shalt  }
0x41: {  	_ =	shalt  }
0x42: {  	_ =	shalt  }
0x43: {  	_ =	shalt  }
0x44: {  	_ =	shalt  }
0x45: {  	_ =	shalt  }
0x46: {  	_ =	shalt  }
0x47: {  	_ =	shalt  }
0x48: {  	_ =	shalt  }
0x49: {  	_ =	shalt  }
0x4a: {  	_ =	shalt  }
0x4b: {  	_ =	shalt  }
0x4c: {  	_ =	shalt  }
0x4d: {  	_ =	shalt  }
0x4e: {  	_ =	shalt  }
0x4f: {  	_ =	shalt  }
0x50: {  	_ =	shalt  }
0x51: {  	_ =	shalt  }
0x52: {  	_ =	shalt  }
0x53: {  	_ =	shalt  }
0x54: {  	_ =	shalt  }
0x55: {  	_ =	shalt  }
0x56: {  	_ =	shalt  }
0x57: {  	_ =	shalt  }
0x58: {  	_ =	shalt  }
0x59: {  	_ =	shalt  }
0x5a: {  	_ =	shalt  }
0x5b: {  	_ =	shalt  }
0x5c: {  	_ =	shalt  }
0x5d: {  	_ =	shalt  }
0x5e: {  	_ =	shalt  }
0x5f: {  	_ =	shalt  }
0x60: {  	_ =	shalt  }
0x61: {  	_ =	shalt  }
0x62: {  	_ =	shalt  }
0x63: {  	_ =	shalt  }
0x64: {  	_ =	shalt  }
0x65: {  	_ =	shalt  }
0x66: {  	_ =	shalt  }
0x67: {  	_ =	shalt  }
0x68: {  	_ =	shalt  }
0x69: {  	_ =	shalt  }
0x6a: {  	_ =	shalt  }
0x6b: {  	_ =	shalt  }
0x6c: {  	_ =	shalt  }
0x6d: {  	_ =	shalt  }
0x6e: {  	_ =	shalt  }
0x6f: {  	_ =	shalt  }
0x70: {  	_ =	shalt  }
0x71: {  	_ =	shalt  }
0x72: {  	_ =	shalt  }
0x73: {  	_ =	shalt  }
0x74: {  	_ =	shalt  }
0x75: {  	_ =	shalt  }
0x76: {  	_ =	shalt  }
0x77: {  	_ =	shalt  }
0x78: {  	_ =	shalt  }
0x79: {  	_ =	shalt  }
0x7a: {  	_ =	shalt  }
0x7b: {  	_ =	shalt  }
0x7c: {  	_ =	shalt  }
0x7d: {  	_ =	shalt  }
0x7e: {  	_ =	shalt  }
0x7f: {  	_ =	shalt  }
0x80: {  	_ =	shalt  }
0x81: {  	_ =	shalt  }
0x82: {  	_ =	shalt  }
0x83: {  	_ =	shalt  }
0x84: {  	_ =	shalt  }
0x85: {  	_ =	shalt  }
0x86: {  	_ =	shalt  }
0x87: {  	_ =	shalt  }
.Lfunc_end0:
.L_simem_size_0:
called_computation_lowered:
.L_overlay_start_0:
0x88: {  	s2 =	sld [smem:$0x3FD9]  }
0x89: {  	s3 =	sld [smem:$0x3FFE];
	_ =	sdelay $0x1  }
0x8a: {  	s1 =	srdreg.scid  }
0x8b: {  	s0 =	sand.u32 $0x1, s1  }
0x8c: {  	s17 =	sshll.u32 s0, $0xA;
	s2 =	sadd.s32 s3, s2  }
0x8d: {  	s2 =	sadd.s32 s2, s17  }
0x8e: {  	[smem:$0x3FC5] =	sst s2  }
0x8f: {  	_ = 	snop  }
0x90: {  	s2 =	sld [smem:$0x3FC9]  }
0x91: {  	s18 =	sld [smem:$0x3FC8]  }
0x92: {  	s4 =	sld [smem:$0x3FD0];
	(tm) =	ssettm $0x1  }
0x93: {  	s5 =	sld [smem:$0x3FFB];
	_ =	sdelay $0x3  }
0x94: {  	_ =	strace s5  }
0x95: {  	s5 =	sld [smem:$0x3FFC];
	_ =	sdelay $0x3  }
0x96: {  	_ =	strace s5  }
0x97: {  	s5 =	sld [smem:$0x3FFD];
	_ =	sdelay $0x3  }
0x98: {  	_ =	strace s5  }
0x99: {  	_ =	strace $0x8FFFFFFF  }
0x9a: {  	s19 =	sld [smem:$0x3FDB];
	_ =	sdelay $0x1  }
0x9b: {  	s6 =	simm.s32 $_scs_section_size  }
0x9c: {  	s7 =	simm.s32 $_size__tile_overlayer_lowered;
	s8 =	simm.s32 $_tile_overlayer_lowered  }
0x9d: {  	s22 =	simm.s32 $0x1BFF;
	s21 =	sshll.u32 s8, $0x1;
	s5 =	sadd.s32 s6, s19  }
0x9e: {  	s9 =	simm.s32 $0x0;
	s20 =	sshll.u32 s7, $0x1;
	s7 =	sadd.s32 s21, s5  }
0x9f: {  	[timem:s9], [sflag:s22] =	dma.local [hbm:s7], s20  }
0xa0: {  	_ =	swait.ge [sflag:s22], s20  }
0xa1: {  	s6 =	ssub.s32 $0x0, s20;
	[sflag:s22] =	ssyncset.done $0x0  }
0xa2: {  	[sflag:s22] =	ssyncadd.s32 s6;
	_ =	sdelay $0x1  }
0xa3: {  	s23 =	simm.s32 $0x1B8B  }
0xa4: {  	_ =	swait.ge [sflag:s23], $0x1  }
0xa5: {  	[sflag:s23] =	ssyncset.done $0x0  }
0xa6: {  	s25 =	simm.s32 $0x1B8E;
	s24 =	sld [smem:$0x3FFE];
	[sflag:s23] =	ssyncadd.s32 $0xFFFFFFFF  }
0xa7: {  	s26 =	simm.s32 $execute0_lowered;
	[smem:$0x3FD2] =	sst s25  }
0xa8: {  	s7 =	sshll.u32 s26, $0x1;
	_ =	strace $0x80000046;
	[dreg:$0x1] =	wrdreg $0xFFFFFFFF  }
0xa9: {  	s28 =	simm.s32 $_size_execute0_lowered;
	s5 =	sadd.s32 s5, s7;
	[dreg:$0x0] =	wrdreg $0x0  }
0xaa: {  	s7 =	sshll.u32 s28, $0x1;
	[dreg:$0x2] =	wrdreg s5  }
0xab: {  	[dreg:$0x3] =	wrdreg s7  }
0xac: {  	[dreg:$0x4] =	wrdreg $0xC0  }
0xad: {  	_ =	task [dreg:s9], $0x5FFFF  }
0xae: {  	[dreg:$0x1] =	wrdreg $0xFFFFFFFF  }
0xaf: {  	[dreg:$0x0] =	wrdreg $0x60  }
0xb0: {  	[dreg:$0x2] =	wrdreg s2  }
0xb1: {  	[dreg:$0x3] =	wrdreg s18  }
0xb2: {  	[dreg:$0x4] =	wrdreg s24  }
0xb3: {  	[dreg:$0x5] =	wrdreg s4  }
0xb4: {  	[dreg:$0x6] =	wrdreg $0x9  }
0xb5: {  	_ =	task.clear_ibuf [dreg:s9], $0x7FFFF;
	_ =	strace $0x90000046  }
0xb6: {  	s29 =	simm.s32 $0x9;
	_ =	strace $0x80000048  }
0xb7: {  	_ =	swait.ge [sflag:s29], $0x1  }
0xb8: {  	[sflag:s29] =	ssyncadd.s32 $0xFFFFFFFF  }
0xb9: {  	_ =	strace $0x90000048  }
0xba: {  	_ =	sfence  }
0xbb: {  	s30 =	sld [smem:$0x0];
	_ =	sdelay $0x2  }
0xbc: {  	s31 =	sshll.u32 s1, $0xD;
	s1 =	sshrl.u32 s1, $0x2  }
0xbd: {  	s3 =	sand.u32 $0x4000, s31;
	s1 =	sadd.s32 s1, s30  }
0xbe: {  	s0 =	sor.u32 s3, s0;
	s1 =	sshll.u32 s1, $0x11  }
0xbf: {  	s0 =	sor.u32 s1, s0  }
0xc0: {  	s0 =	sadd.s32 $0x8F2B, s0  }
0xc1: {  	[sflag:s0] =	ssyncadd.remote.s32 $0x1  }
0xc2: {  	_ =	sfence.sel $0xFFFF  }
0xc3: {  	[dreg:$0x0] =	wrdreg $0xFFFFFFFF;
	(pc) =	sbr.abs _section_cstart, $3  }
0xc4: {  	[dreg:$0x1] =	wrdreg $0xFFFFFFFF  }
0xc5: {  	_ =	task.clear_ibuf [dreg:s9], $0x2FFFF;
	_ =	strace $0x9FFFFFFF  }
0xc6: {  	(tm) =	ssettm $0x7FFFFFFF  }
0xc7: {  	_ =	shalt  }
tec
execute0_lowered:
.L_overlay_start_1:
0x0: {  	(tag) =	ssettag $0x1  }
0x1: {  	s1 =	rddreg [dreg:$0x0]  }
0x2: {  	s2 =	rddreg [dreg:$0x1]  }
0x3: {  	s6 =	rddreg [dreg:$0x2]  }
0x4: {  	s8 =	rddreg [dreg:$0x3]  }
0x5: {  	s0 =	rddreg [dreg:$0x4];
	s3 =	simm.s32 $0x0  }
0x6: {  	s4 =	srdreg.scid;
	s13 =	simm.s32 $0x180;
	s14 =	simm.s32 $0x280  }
0x7: {  	s15 =	simm.s32 $0x200;
	s16 =	simm.s32 $0x4280;
	s17 =	simm.s32 $0x1  }
0x8: {  	s18 =	simm.s32 $0x8280;
	s19 =	simm.s32 $0x2;
	[smem:$0x7FF] =	sst s3  }
0x9: {  	s7 =	sand.u32 $0x1, s4;
	s4 =	stileid.u32;
	s5 =	sadd.s32 $0x800, s6  }
0xa: {  	v0 =	vlaneseq.u32;
	s6 =	sadd.s32 $0x600, s6;
	s9 =	ssub.s32 $0x2, s7;
	s11 =	sshll.u32 s4, $0x1  }
0xb: {  	v0 =	vmul.u32 $0x80, v0;
	_ =	strace $0x80000047;
	s10 =	sshrl.u32 s9, $0x1;
	s7 =	sor.u32 s7, s11  }
0xc: {  	s9 =	ssub.s32 s9, s10;
	s11 =	smul.u32 $0x190, s7;
	s31 =	sshllo.u32 s7, $0x1  }
0xd: {  	v3 =	vor.u32 $0x800, v0;
	v4 =	vor.u32 $0x1000, v0;
	v5 =	vor.u32 $0x1800, v0;
	s7 =	sshll.u32 s7, $0x5;
	s12 =	smul.u32 $0xC8, s31;
	s10 =	sshll.u32 s31, $0x4  }
0xe: {  	v6 =	vor.u32 $0x2000, v0;
	v7 =	vor.u32 $0x2800, v0;
	v8 =	vor.u32 $0x3000, v0;
	s7 =	sadd.s32 s8, s7;
	s9 =	smax.u32 s9, $0x1;
	s8 =	sadd.s32 s8, s10  }
0xf: {  	v9 =	vor.u32 $0x3800, v0;
	s10 =	simm.s32 $0x3;
	v1 =	vmov s11;
	s11 =	simm.s32 $0x80;
	v2 =	vmov s12;
	s12 =	simm.s32 $0x100  }
.LBB2_1:
0x10: {  	[tilespmem:s3], [sflag:$0x3] =	stream.linear.gather [hbm4b:s2+s3], $0x80, $0x38;
	[tilespmem:$0x8300] =	vst v63  }
0x11: {  	_ =	swait.ge [sflag:s10], $0x80  }
0x12: {  	[sflag:s10] =	ssyncset.done $0x0  }
0x13: {  	[sflag:s10] =	ssyncadd.s32 $0xFFFFFF80  }
0x14: {  	[tilespmem:s11], [sflag:$0x3] =	stream.linear.gather [hbm4b:s5+s3], $0x80, $0x38;
	[tilespmem:$0x8300] =	vst v63  }
0x15: {  	_ =	swait.ge [sflag:s10], $0x80  }
0x16: {  	[sflag:s10] =	ssyncset.done $0x0  }
0x17: {  	[sflag:s10] =	ssyncadd.s32 $0xFFFFFF80  }
0x18: {  	[tilespmem:s12], [sflag:$0x3] =	stream.linear.gather [hbm4b:s6+s3], $0x80, $0x38;
	[tilespmem:$0x8300] =	vst v63  }
0x19: {  	_ =	swait.ge [sflag:s10], $0x80  }
0x1a: {  	[sflag:s10] =	ssyncset.done $0x0  }
0x1b: {  	[sflag:s10] =	ssyncadd.s32 $0xFFFFFF80  }
0x1c: {  	v10 =	vld [tilespmem:$0x80]  }
0x1d: {  	v11 =	vld [tilespmem:$0x100]  }
0x1e: {  	v12 =	vld [tilespmem:$0x90]  }
0x1f: {  	v13 =	vld [tilespmem:$0x110]  }
0x20: {  	v14 =	vld [tilespmem:$0xA0]  }
0x21: {  	v15 =	vld [tilespmem:$0x120]  }
0x22: {  	v16 =	vld [tilespmem:$0xB0]  }
0x23: {  	v17 =	vld [tilespmem:$0x130]  }
0x24: {  	v18 =	vld [tilespmem:$0xC0]  }
0x25: {  	v19 =	vld [tilespmem:$0x140]  }
0x26: {  	v20 =	vld [tilespmem:$0xD0]  }
0x27: {  	v21 =	vld [tilespmem:$0x150]  }
0x28: {  	v22 =	vld [tilespmem:$0xE0]  }
0x29: {  	v23 =	vld [tilespmem:$0x160]  }
0x2a: {  	v24 =	vld [tilespmem:$0xF0]  }
0x2b: {  	v25 =	vld [tilespmem:$0x170]  }
0x2c: {  	v26 =	vld [tilespmem:$0x80]  }
0x2d: {  	v27 =	vld [tilespmem:$0x100]  }
0x2e: {  	v28 =	vld [tilespmem:$0x90];
	v10 =	vadd.s32 v1, v10  }
0x2f: {  	v29 =	vld [tilespmem:$0x110];
	v12 =	vadd.s32 v1, v12;
	v10 =	vmul.u32 $0xC8, v10  }
0x30: {  	v30 =	vld [tilespmem:$0xA0];
	v14 =	vadd.s32 v1, v14;
	v12 =	vmul.u32 $0xC8, v12  }
0x31: {  	v55 =	vld [tilespmem:$0x120];
	v54 =	vadd.s32 v1, v16;
	v10 =	vadd.s32 v11, v10;
	v11 =	vmul.u32 $0xC8, v14  }
0x32: {  	v58 =	vld [tilespmem:$0xB0];
	v57 =	vadd.s32 v1, v18;
	v56 =	vmul.u32 $0xC8, v54;
	[tilespmem:$0x180] =	vst v10;
	v10 =	vadd.s32 v13, v12  }
0x33: {  	v60 =	vld [tilespmem:$0x130];
	v59 =	vadd.s32 v1, v20;
	[tilespmem:$0x190] =	vst v10;
	v10 =	vadd.s32 v15, v11;
	v11 =	vmul.u32 $0xC8, v57  }
0x34: {  	v63 =	vld [tilespmem:$0xC0];
	v62 =	vadd.s32 v1, v22;
	v61 =	vmul.u32 $0xC8, v59;
	[tilespmem:$0x1A0] =	vst v10;
	v10 =	vadd.s32 v17, v56  }
0x35: {  	v32 =	vld [tilespmem:$0x140];
	v31 =	vadd.s32 v1, v24;
	[tilespmem:$0x1B0] =	vst v10;
	v10 =	vadd.s32 v19, v11;
	v11 =	vmul.u32 $0xC8, v62  }
0x36: {  	v35 =	vld [tilespmem:$0xD0];
	v34 =	vadd.s32 v2, v26;
	v33 =	vmul.u32 $0xC8, v31;
	[tilespmem:$0x1C0] =	vst v10;
	v10 =	vadd.s32 v21, v61  }
0x37: {  	v37 =	vld [tilespmem:$0xE0];
	v36 =	vadd.s32 v2, v28;
	[tilespmem:$0x1D0] =	vst v10;
	v10 =	vadd.s32 v23, v11;
	v11 =	vmul.u32 $0xC8, v34  }
0x38: {  	v40 =	vld [tilespmem:$0xF0];
	v39 =	vadd.s32 v2, v30;
	v38 =	vmul.u32 $0xC8, v36;
	[tilespmem:$0x1E0] =	vst v10;
	v10 =	vadd.s32 v25, v33  }
0x39: {  	v42 =	vld [tilespmem:$0x150];
	v41 =	vadd.s32 v2, v58;
	[tilespmem:$0x1F0] =	vst v10;
	v10 =	vadd.s32 v27, v11;
	v11 =	vmul.u32 $0xC8, v39  }
0x3a: {  	v45 =	vld [tilespmem:$0x160];
	v44 =	vadd.s32 v2, v63;
	v43 =	vmul.u32 $0xC8, v41;
	[tilespmem:$0x200] =	vst v10;
	v10 =	vadd.s32 v29, v38  }
0x3b: {  	v47 =	vld [tilespmem:$0x170];
	v46 =	vadd.s32 v2, v35;
	[tilespmem:$0x210] =	vst v10;
	v10 =	vadd.s32 v55, v11;
	v11 =	vmul.u32 $0xC8, v44  }
0x3c: {  	v49 =	vadd.s32 v2, v37;
	v48 =	vmul.u32 $0xC8, v46;
	[tilespmem:$0x220] =	vst v10;
	v10 =	vadd.s32 v60, v43  }
0x3d: {  	v50 =	vadd.s32 v2, v40;
	[tilespmem:$0x230] =	vst v10;
	v10 =	vadd.s32 v32, v11;
	v11 =	vmul.u32 $0xC8, v49  }
0x3e: {  	v51 =	vmul.u32 $0xC8, v50;
	[tilespmem:$0x240] =	vst v10;
	v10 =	vadd.s32 v42, v48  }
0x3f: {  	[tilespmem:$0x250] =	vst v10;
	v10 =	vadd.s32 v45, v11  }
0x40: {  	[tilespmem:$0x260] =	vst v10;
	v10 =	vadd.s32 v47, v51  }
0x41: {  	[tilespmem:$0x270] =	vst v10  }
0x42: {  	[tilespmem:s14], [sflag:$0x1] =	stream.indirect.gather [hbm4b:s1+s11], $0x80, s13, s11, $0xb8;
	[tilespmem:$0x8300] =	vst v63  }
0x43: {  	_ = 	snop  }
0x44: {  	[tilespmem:s16], [sflag:$0x2] =	stream.indirect.gather [hbm4b:s1+s11], $0x80, s15, s11, $0xb8;
	[tilespmem:$0x8300] =	vst v63  }
0x45: {  	_ =	swait.ge [sflag:s17], $0x4000  }
0x46: {  	[sflag:s17] =	ssyncset.done $0x0  }
0x47: {  	[sflag:s17] =	ssyncadd.s32 $0xFFFFC000  }
0x48: {  	v10 =	vld [tilespmem:$0x0];
	_ =	sdelay $0x4  }
0x49: {  	v10 =	vadd.s32 v0, v10  }
0x4a: {  	v11 =	vld [tilespmem:$0x10];
	_ =	sdelay $0x3  }
0x4b: {  	v10 =	vld.idx.msk [tilespmem:v10+s14+$0x0], $0xffff  }
0x4c: {  	v11 =	vadd.s32 v3, v11  }
0x4d: {  	v52 =	vld [tilespmem:$0x20];
	_ =	sdelay $0x2  }
0x4e: {  	[tilespmem:$0x8280] =	vst v10  }
0x4f: {  	v10 =	vld.idx.msk [tilespmem:v11+s14+$0x0], $0xffff  }
0x50: {  	v11 =	vadd.s32 v4, v52  }
0x51: {  	v53 =	vld [tilespmem:$0x30];
	_ =	sdelay $0x2  }
0x52: {  	[tilespmem:$0x8290] =	vst v10  }
0x53: {  	v10 =	vld.idx.msk [tilespmem:v11+s14+$0x0], $0xffff  }
0x54: {  	v11 =	vadd.s32 v5, v53  }
0x55: {  	v54 =	vld [tilespmem:$0x40];
	_ =	sdelay $0x2  }
0x56: {  	[tilespmem:$0x82A0] =	vst v10  }
0x57: {  	v10 =	vld.idx.msk [tilespmem:v11+s14+$0x0], $0xffff  }
0x58: {  	v11 =	vadd.s32 v6, v54  }
0x59: {  	v55 =	vld [tilespmem:$0x50];
	_ =	sdelay $0x2  }
0x5a: {  	[tilespmem:$0x82B0] =	vst v10  }
0x5b: {  	v10 =	vld.idx.msk [tilespmem:v11+s14+$0x0], $0xffff  }
0x5c: {  	v11 =	vadd.s32 v7, v55  }
0x5d: {  	v56 =	vld [tilespmem:$0x60];
	_ =	sdelay $0x2  }
0x5e: {  	[tilespmem:$0x82C0] =	vst v10  }
0x5f: {  	v10 =	vld.idx.msk [tilespmem:v11+s14+$0x0], $0xffff  }
0x60: {  	v11 =	vadd.s32 v8, v56  }
0x61: {  	v57 =	vld [tilespmem:$0x70];
	_ =	sdelay $0x2  }
0x62: {  	[tilespmem:$0x82D0] =	vst v10  }
0x63: {  	v10 =	vld.idx.msk [tilespmem:v11+s14+$0x0], $0xffff  }
0x64: {  	v11 =	vadd.s32 v9, v57;
	_ =	sdelay $0x3  }
0x65: {  	[tilespmem:$0x82E0] =	vst v10  }
0x66: {  	v10 =	vld.idx.msk [tilespmem:v11+s14+$0x0], $0xffff;
	_ =	sdelay $0x4  }
0x67: {  	[tilespmem:$0x82F0] =	vst v10  }
0x68: {  	[hbm4b:s7+s3] =	stream.linear.scatter [tilespmem:s18], [sflag:$0x3], $0x80, $0x38;
	[tilespmem:$0x8300] =	vst v63  }
0x69: {  	_ =	swait.ge [sflag:s10], $0x80  }
0x6a: {  	[sflag:s10] =	ssyncset.done $0x0  }
0x6b: {  	[sflag:s10] =	ssyncadd.s32 $0xFFFFFF80  }
0x6c: {  	_ =	swait.ge [sflag:s19], $0x4000  }
0x6d: {  	[sflag:s19] =	ssyncset.done $0x0  }
0x6e: {  	[sflag:s19] =	ssyncadd.s32 $0xFFFFC000  }
0x6f: {  	v10 =	vld [tilespmem:$0x0];
	_ =	sdelay $0x4  }
0x70: {  	v10 =	vadd.s32 v0, v10  }
0x71: {  	v11 =	vld [tilespmem:$0x10];
	_ =	sdelay $0x3  }
0x72: {  	v10 =	vld.idx.msk [tilespmem:v10+s16+$0x0], $0xffff  }
0x73: {  	v11 =	vadd.s32 v3, v11  }
0x74: {  	v58 =	vld [tilespmem:$0x20];
	_ =	sdelay $0x2  }
0x75: {  	[tilespmem:$0x8280] =	vst v10  }
0x76: {  	v10 =	vld.idx.msk [tilespmem:v11+s16+$0x0], $0xffff  }
0x77: {  	v11 =	vadd.s32 v4, v58  }
0x78: {  	v59 =	vld [tilespmem:$0x30];
	_ =	sdelay $0x2  }
0x79: {  	[tilespmem:$0x8290] =	vst v10  }
0x7a: {  	v10 =	vld.idx.msk [tilespmem:v11+s16+$0x0], $0xffff  }
0x7b: {  	v11 =	vadd.s32 v5, v59  }
0x7c: {  	v60 =	vld [tilespmem:$0x40];
	_ =	sdelay $0x2  }
0x7d: {  	[tilespmem:$0x82A0] =	vst v10  }
0x7e: {  	v10 =	vld.idx.msk [tilespmem:v11+s16+$0x0], $0xffff  }
0x7f: {  	v11 =	vadd.s32 v6, v60  }
0x80: {  	v61 =	vld [tilespmem:$0x50];
	_ =	sdelay $0x2  }
0x81: {  	[tilespmem:$0x82B0] =	vst v10  }
0x82: {  	v10 =	vld.idx.msk [tilespmem:v11+s16+$0x0], $0xffff  }
0x83: {  	v11 =	vadd.s32 v7, v61  }
0x84: {  	v62 =	vld [tilespmem:$0x60];
	_ =	sdelay $0x2  }
0x85: {  	[tilespmem:$0x82C0] =	vst v10  }
0x86: {  	v10 =	vld.idx.msk [tilespmem:v11+s16+$0x0], $0xffff  }
0x87: {  	v11 =	vadd.s32 v8, v62  }
0x88: {  	v63 =	vld [tilespmem:$0x70];
	_ =	sdelay $0x2  }
0x89: {  	[tilespmem:$0x82D0] =	vst v10  }
0x8a: {  	v10 =	vld.idx.msk [tilespmem:v11+s16+$0x0], $0xffff  }
0x8b: {  	v11 =	vadd.s32 v9, v63;
	_ =	sdelay $0x3  }
0x8c: {  	[tilespmem:$0x82E0] =	vst v10  }
0x8d: {  	v10 =	vld.idx.msk [tilespmem:v11+s16+$0x0], $0xffff;
	_ =	sdelay $0x3  }
0x8e: {  	p0 =	sne.s32 s9, $0x1  }
.Ltmp0:
0x8f: {  	[tilespmem:$0x82F0] =	vst v10;
	(pc) =	sbr.rel @p0 .LBB2_1-.Ltmp0, $4  }
0x90: {  	[hbm4b:s8+s3] =	stream.linear.scatter [tilespmem:s18], [sflag:$0x3], $0x80, $0x38;
	[tilespmem:$0x8300] =	vst v63  }
0x91: {  	_ =	swait.ge [sflag:s10], $0x80  }
0x92: {  	[sflag:s10] =	ssyncset.done $0x0  }
0x93: {  	s9 =	sadd.s32 $0xFFFFFFFF, s9;
	[sflag:s10] =	ssyncadd.s32 $0xFFFFFF80  }
0x94: {  	_ =	sfence.sel $0x180000  }
0x95: {  	[bflag:$0x0] =	sbarrier.arrive $0xFFFF  }
0x96: {  	p0 =	sne.s32 s4, $0x0;
	_ =	strace $0x90000047  }
0x97: {  	s0 =	sadd.s32 @!p0 $0x100000, s0;
	[bflag:$0x2] =	sbarrier.arrive $0xFFFF  }
0x98: {  	[sflag:s0] =	ssyncadd.tile.s32 @!p0 $0x1;
	_ =	shalt  }
.Lfunc_end2:
_tile_overlayer_lowered:
.L_overlay_start_2:
0x99: {  	(tag) =	ssettag $0x2  }
0x9a: {  	s0 =	rddreg [dreg:$0x0];
	s2 =	stileid.u32  }
0x9b: {  	s1 =	rddreg [dreg:$0x1];
	p0 =	sne.s32 s2, $0x0  }
0x9c: {  	s3 =	rddreg [dreg:$0x2];
	[bflag:$0x3] =	sbarrier.arrive $0xFFFF;
	s2 =	simm.s32 @!p0 $0x1C03  }
0x9d: {  	[timem:s3], [sflag:s2] =	dma.local @!p0 [hbm:s0], s1  }
0x9e: {  	s0 =	simm.s32 @!p0 $0x3  }
0x9f: {  	_ =	swait.ge @!p0 [sflag:s0], s1  }
0xa0: {  	s1 =	ssub.s32 @!p0 $0x0, s1;
	[sflag:s0] =	ssyncset.done @!p0 $0x0  }
0xa1: {  	[sflag:s0] =	ssyncadd.s32 @!p0 s1  }
0xa2: {  	[bflag:$0x3] =	sbarrier.arrive $0xFFFF  }
0xa3: {  	_ =	shalt  }

</sc_bundles>
